<compile_context>
chip_gen: v7x
topology: tpu7x:2x2x1
jax: 0.10.2.dev20260603
libtpu: 0.0.44.dev20260713+nightly
codegen_flags: <defaults>
</compile_context>

<pallas_src>
import functools

import jax
import jax.numpy as jnp
from jax import lax
from jax.experimental import pallas as pl
from jax.experimental.pallas import tpu as pltpu
from jax.experimental.pallas import tpu_sc as plsc

NBUF = 3


@functools.cache
def _build(B_, L_, V, D, NC, NS):
  NW = NC * NS
  D2 = 2 * D
  bw = B_ // NW
  mesh = plsc.VectorSubcoreMesh(core_axis_name="c", subcore_axis_name="s")

  @functools.partial(
      pl.kernel,
      mesh=mesh,
      compiler_params=pltpu.CompilerParams(needs_layout_passes=False),
      out_type=jax.ShapeDtypeStruct((L_, D, B_), jnp.float32),
      scratch_types=[
          pltpu.VMEM((L_, bw), jnp.int32),
          pltpu.VMEM((NBUF, bw, D2), jnp.float32),
          pltpu.VMEM((NBUF, D, bw), jnp.float32),
          [pltpu.SemaphoreType.DMA] * NBUF,
          [pltpu.SemaphoreType.DMA] * NBUF,
      ],
  )
  def k(idx_hbm, table_hbm, out_hbm, idx_v, wide, comp, gsems, wsems):
    wid = lax.axis_index("s") * NC + lax.axis_index("c")
    b0 = wid * bw
    pltpu.sync_copy(idx_hbm.at[wid], idx_v)
    iota = lax.iota(jnp.int32, 16)

    def gather(c, b):
      pltpu.async_copy(table_hbm.at[idx_v.at[c]], wide.at[b], gsems[b])

    def wait_gather(c, b):
      pltpu.make_async_copy(
          table_hbm.at[idx_v.at[c]], wide.at[b], gsems[b]).wait()

    perms = [(iota + k) % 16 for k in range(16)]

    def select(b):
      src = wide.at[b]
      dst = comp.at[b]

      @pl.loop(0, bw, step=16)
      def _(j0):
        bbv = iota + j0

        @pl.loop(0, D, step=16)
        def _(f0):
          for k in range(16):
            fv = perms[k] + f0
            plsc.store_scatter(dst, [fv, bbv], plsc.load_gather(src, [bbv, fv]))

    def write(c, b):
      pltpu.async_copy(
          comp.at[b], out_hbm.at[c, slice(None), pl.ds(b0, bw)], wsems[b])

    def wait_write(c, b):
      pltpu.make_async_copy(
          comp.at[b], out_hbm.at[c, slice(None), pl.ds(b0, bw)],
          wsems[b]).wait()

    gather(0, 0)
    gather(1, 1)

    n_loop = ((L_ + NBUF - 1) // NBUF) * NBUF

    @pl.loop(0, n_loop, step=NBUF)
    def _(j):
      for b in range(NBUF):
        c = j + b

        @pl.when(jnp.logical_and(c - 2 >= 0, c - 2 < L_))
        def _():
          wait_write(c - 2, (b - 2) % NBUF)

        @pl.when(c + 2 < L_)
        def _():
          gather(c + 2, (b + 2) % NBUF)

        @pl.when(c < L_)
        def _():
          wait_gather(c, b)
          select(b)
          write(c, b)

    for c in range(max(0, n_loop - 2), L_):
      wait_write(c, c % NBUF)

  return k


def kernel(x, weight):
  B_, L_ = x.shape
  V, D = weight.shape
  info = plsc.get_sparse_core_info()
  NC, NS = info.num_cores, info.num_subcores
  NW = NC * NS
  bw = B_ // NW
  w_p = jnp.pad(weight, ((0, 0), (0, D)))
  idx = x.T.reshape(L_, NW, bw).transpose(1, 0, 2).astype(jnp.int32)
  out = _build(B_, L_, V, D, NC, NS)(idx, w_p)
  return out.transpose(2, 0, 1)

# --- scband reference (transcript-rebuilt; emitter-appended) ---
"""Pipeline reference for scband-embedding-layer-51427938402382 (READ-ONLY COPY).

The authoritative reference and input builder live on the scoring server;
editing this copy changes nothing except your own understanding.
"""

import jax, jax.numpy as jnp
import numpy as np

VOCAB = 1000000
DIM = 64
B = 4096
L = 50

def setup_inputs(seed: int = 0) -> dict:
    key = jax.random.key(seed)
    k_idx, k_w = jax.random.split(key)
    x = jax.random.randint(k_idx, (B, L), 0, VOCAB, dtype=jnp.int64 if jax.config.jax_enable_x64 else jnp.int32)
    # torch.nn.init.uniform_ -> U[0, 1)
    weight = jax.random.uniform(k_w, (VOCAB, DIM), dtype=jnp.float32)
    return {"x": x, "weight": weight}

def reference(x, weight):
    # Embedding lookup: table[idx]
    return jnp.take(weight, x, axis=0)

if __name__ == "__main__":
    import jax
    _d = setup_inputs()
    print(jax.jit(kernel)(*tuple(_d.values())))

</pallas_src>

<mosaic_0001>
#map = affine_map<(d0, d1) -> (0, 0, 0)>
#map1 = affine_map<(d0, d1) -> (0, 0)>
module attributes {stable_mosaic.version = 14 : i64} {
  func.func @k(%arg0: i32, %arg1: i32, %arg2: memref<32x50x128xi32, #tpu.memory_space<hbm>>, %arg3: memref<1000000x128xf32, #tpu.memory_space<hbm>>, %arg4: memref<50x64x4096xf32, #tpu.memory_space<hbm>>, %arg5: memref<50x128xi32, #tpu.memory_space<vmem>>, %arg6: memref<3x128x128xf32, #tpu.memory_space<vmem>>, %arg7: memref<3x64x128xf32, #tpu.memory_space<vmem>>, %arg8: memref<!tpu.dma_semaphore, #tpu.memory_space<semaphore_mem>>, %arg9: memref<!tpu.dma_semaphore, #tpu.memory_space<semaphore_mem>>, %arg10: memref<!tpu.dma_semaphore, #tpu.memory_space<semaphore_mem>>, %arg11: memref<!tpu.dma_semaphore, #tpu.memory_space<semaphore_mem>>, %arg12: memref<!tpu.dma_semaphore, #tpu.memory_space<semaphore_mem>>, %arg13: memref<!tpu.dma_semaphore, #tpu.memory_space<semaphore_mem>>) attributes {dimension_semantics = [#tpu.dimension_semantics<core_parallel>, #tpu.dimension_semantics<subcore_parallel>], iteration_bounds = array<i64: 2, 16>, scalar_prefetch = 0 : i64, scratch_operands = 9 : i64, tpu.core_type = #tpu.core_type<sc_vector_subcore>, window_params = [{transform_indices = #map}, {transform_indices = #map1}, {transform_indices = #map}]} {
    %mul3A = arith.constant 2 : i32
    %mul3A_0 = arith.muli %arg1, %mul3A : i32
    %add3A = arith.addi %mul3A_0, %arg0 : i32
    %mul3A_1 = arith.constant 128 : i32
    %mul3A_2 = arith.muli %add3A, %mul3A_1 : i32
    "tpu.region"() ({
      %run_scoped3A = tpu.sem_alloc : memref<!tpu.dma_semaphore, #tpu.memory_space<semaphore_mem>>
      %dma_start3A_438 = arith.constant 0 : i32
      %dma_start3A_439 = arith.constant 0 : i32
      %dma_start3A_440 = tpu.memref_slice %arg2[%add3A, %dma_start3A_438, %dma_start3A_439] : memref<32x50x128xi32, #tpu.memory_space<hbm>> -> memref<1x50x128xi32, #tpu.memory_space<hbm>>
      %dma_start3A_441 = tpu.memref_squeeze %dma_start3A_440 : memref<1x50x128xi32, #tpu.memory_space<hbm>> -> memref<50x128xi32, #tpu.memory_space<hbm>>
      %dma_start3A_442 = arith.constant 0 : i32
      %dma_start3A_443 = arith.constant 0 : i32
      %dma_start3A_444 = tpu.memref_slice %arg2[%add3A, %dma_start3A_442, %dma_start3A_443] : memref<32x50x128xi32, #tpu.memory_space<hbm>> -> memref<1x50x128xi32, #tpu.memory_space<hbm>>
      %dma_start3A_445 = tpu.memref_squeeze %dma_start3A_444 : memref<1x50x128xi32, #tpu.memory_space<hbm>> -> memref<50x128xi32, #tpu.memory_space<hbm>>
      tpu.enqueue_dma source(%dma_start3A_445 : memref<50x128xi32, #tpu.memory_space<hbm>>) target(%arg5 : memref<50x128xi32, #tpu.memory_space<vmem>>) target_semaphore(%run_scoped3A : memref<!tpu.dma_semaphore, #tpu.memory_space<semaphore_mem>>)
      %dma_wait3A_446 = arith.constant 0 : i32
      %dma_wait3A_447 = arith.constant 0 : i32
      %dma_wait3A_448 = tpu.memref_slice %arg2[%add3A, %dma_wait3A_446, %dma_wait3A_447] : memref<32x50x128xi32, #tpu.memory_space<hbm>> -> memref<1x50x128xi32, #tpu.memory_space<hbm>>
      %dma_wait3A_449 = tpu.memref_squeeze %dma_wait3A_448 : memref<1x50x128xi32, #tpu.memory_space<hbm>> -> memref<50x128xi32, #tpu.memory_space<hbm>>
      %dma_wait3A_450 = arith.constant 0 : i32
      %dma_wait3A_451 = arith.constant 0 : i32
      %dma_wait3A_452 = tpu.memref_slice %arg2[%add3A, %dma_wait3A_450, %dma_wait3A_451] : memref<32x50x128xi32, #tpu.memory_space<hbm>> -> memref<1x50x128xi32, #tpu.memory_space<hbm>>
      %dma_wait3A_453 = tpu.memref_squeeze %dma_wait3A_452 : memref<1x50x128xi32, #tpu.memory_space<hbm>> -> memref<50x128xi32, #tpu.memory_space<hbm>>
      tpu.wait_dma2 semaphore(%run_scoped3A : memref<!tpu.dma_semaphore, #tpu.memory_space<semaphore_mem>>) src(%dma_wait3A_453 : memref<50x128xi32, #tpu.memory_space<hbm>>) dst(%arg5 : memref<50x128xi32, #tpu.memory_space<vmem>>)
      tpu.yield
    }) : () -> ()
    %iota3A = tpu.iota {dimensions = array<i32: 0>} : vector<16xi32>
    %add3A_3 = arith.constant 0 : i32
    %add3A_4 = vector.broadcast %add3A_3 : i32 to vector<16xi32>
    %add3A_5 = arith.addi %iota3A, %add3A_4 : vector<16xi32>
    %jit3A = arith.constant 16 : i32
    %eq3A = arith.constant 0 : i32
    %eq3A_6 = arith.cmpi eq, %jit3A, %eq3A : i32
    %jit3A_7 = arith.constant 1 : i32
    %select_n3A = arith.select %eq3A_6, %jit3A_7, %jit3A : i32
    %rem3A = vector.broadcast %select_n3A : i32 to vector<16xi32>
    %rem3A_8 = arith.remsi %add3A_5, %rem3A : vector<16xi32>
    %ne3A = arith.constant 0 : i32
    %ne3A_9 = vector.broadcast %ne3A : i32 to vector<16xi32>
    %ne3A_10 = arith.cmpi ne, %rem3A_8, %ne3A_9 : vector<16xi32>
    %lt3A = arith.constant 0 : i32
    %lt3A_11 = vector.broadcast %lt3A : i32 to vector<16xi32>
    %lt3A_12 = arith.cmpi slt, %rem3A_8, %lt3A_11 : vector<16xi32>
    %lt3A_13 = arith.constant 0 : i32
    %lt3A_14 = arith.cmpi slt, %select_n3A, %lt3A_13 : i32
    %ne3A_15 = vector.broadcast %lt3A_14 : i1 to vector<16xi1>
    %ne3A_16 = vector.broadcast %ne3A_15 : vector<16xi1> to vector<16xi1>
    %ne3A_17 = arith.xori %lt3A_12, %ne3A_16 : vector<16xi1>
    %and3A = arith.andi %ne3A_17, %ne3A_10 : vector<16xi1>
    %add3A_18 = vector.broadcast %select_n3A : i32 to vector<16xi32>
    %add3A_19 = arith.addi %rem3A_8, %add3A_18 : vector<16xi32>
    %select_n3A_20 = arith.select %and3A, %add3A_19, %rem3A_8 : vector<16xi1>, vector<16xi32>
    %add3A_21 = arith.constant 1 : i32
    %add3A_22 = vector.broadcast %add3A_21 : i32 to vector<16xi32>
    %add3A_23 = arith.addi %iota3A, %add3A_22 : vector<16xi32>
    %jit3A_24 = arith.constant 16 : i32
    %eq3A_25 = arith.constant 0 : i32
    %eq3A_26 = arith.cmpi eq, %jit3A_24, %eq3A_25 : i32
    %jit3A_27 = arith.constant 1 : i32
    %select_n3A_28 = arith.select %eq3A_26, %jit3A_27, %jit3A_24 : i32
    %rem3A_29 = vector.broadcast %select_n3A_28 : i32 to vector<16xi32>
    %rem3A_30 = arith.remsi %add3A_23, %rem3A_29 : vector<16xi32>
    %ne3A_31 = arith.constant 0 : i32
    %ne3A_32 = vector.broadcast %ne3A_31 : i32 to vector<16xi32>
    %ne3A_33 = arith.cmpi ne, %rem3A_30, %ne3A_32 : vector<16xi32>
    %lt3A_34 = arith.constant 0 : i32
    %lt3A_35 = vector.broadcast %lt3A_34 : i32 to vector<16xi32>
    %lt3A_36 = arith.cmpi slt, %rem3A_30, %lt3A_35 : vector<16xi32>
    %lt3A_37 = arith.constant 0 : i32
    %lt3A_38 = arith.cmpi slt, %select_n3A_28, %lt3A_37 : i32
    %ne3A_39 = vector.broadcast %lt3A_38 : i1 to vector<16xi1>
    %ne3A_40 = vector.broadcast %ne3A_39 : vector<16xi1> to vector<16xi1>
    %ne3A_41 = arith.xori %lt3A_36, %ne3A_40 : vector<16xi1>
    %and3A_42 = arith.andi %ne3A_41, %ne3A_33 : vector<16xi1>
    %add3A_43 = vector.broadcast %select_n3A_28 : i32 to vector<16xi32>
    %add3A_44 = arith.addi %rem3A_30, %add3A_43 : vector<16xi32>
    %select_n3A_45 = arith.select %and3A_42, %add3A_44, %rem3A_30 : vector<16xi1>, vector<16xi32>
    %add3A_46 = arith.constant 2 : i32
    %add3A_47 = vector.broadcast %add3A_46 : i32 to vector<16xi32>
    %add3A_48 = arith.addi %iota3A, %add3A_47 : vector<16xi32>
    %jit3A_49 = arith.constant 16 : i32
    %eq3A_50 = arith.constant 0 : i32
    %eq3A_51 = arith.cmpi eq, %jit3A_49, %eq3A_50 : i32
    %jit3A_52 = arith.constant 1 : i32
    %select_n3A_53 = arith.select %eq3A_51, %jit3A_52, %jit3A_49 : i32
    %rem3A_54 = vector.broadcast %select_n3A_53 : i32 to vector<16xi32>
    %rem3A_55 = arith.remsi %add3A_48, %rem3A_54 : vector<16xi32>
    %ne3A_56 = arith.constant 0 : i32
    %ne3A_57 = vector.broadcast %ne3A_56 : i32 to vector<16xi32>
    %ne3A_58 = arith.cmpi ne, %rem3A_55, %ne3A_57 : vector<16xi32>
    %lt3A_59 = arith.constant 0 : i32
    %lt3A_60 = vector.broadcast %lt3A_59 : i32 to vector<16xi32>
    %lt3A_61 = arith.cmpi slt, %rem3A_55, %lt3A_60 : vector<16xi32>
    %lt3A_62 = arith.constant 0 : i32
    %lt3A_63 = arith.cmpi slt, %select_n3A_53, %lt3A_62 : i32
    %ne3A_64 = vector.broadcast %lt3A_63 : i1 to vector<16xi1>
    %ne3A_65 = vector.broadcast %ne3A_64 : vector<16xi1> to vector<16xi1>
    %ne3A_66 = arith.xori %lt3A_61, %ne3A_65 : vector<16xi1>
    %and3A_67 = arith.andi %ne3A_66, %ne3A_58 : vector<16xi1>
    %add3A_68 = vector.broadcast %select_n3A_53 : i32 to vector<16xi32>
    %add3A_69 = arith.addi %rem3A_55, %add3A_68 : vector<16xi32>
    %select_n3A_70 = arith.select %and3A_67, %add3A_69, %rem3A_55 : vector<16xi1>, vector<16xi32>
    %add3A_71 = arith.constant 3 : i32
    %add3A_72 = vector.broadcast %add3A_71 : i32 to vector<16xi32>
    %add3A_73 = arith.addi %iota3A, %add3A_72 : vector<16xi32>
    %jit3A_74 = arith.constant 16 : i32
    %eq3A_75 = arith.constant 0 : i32
    %eq3A_76 = arith.cmpi eq, %jit3A_74, %eq3A_75 : i32
    %jit3A_77 = arith.constant 1 : i32
    %select_n3A_78 = arith.select %eq3A_76, %jit3A_77, %jit3A_74 : i32
    %rem3A_79 = vector.broadcast %select_n3A_78 : i32 to vector<16xi32>
    %rem3A_80 = arith.remsi %add3A_73, %rem3A_79 : vector<16xi32>
    %ne3A_81 = arith.constant 0 : i32
    %ne3A_82 = vector.broadcast %ne3A_81 : i32 to vector<16xi32>
    %ne3A_83 = arith.cmpi ne, %rem3A_80, %ne3A_82 : vector<16xi32>
    %lt3A_84 = arith.constant 0 : i32
    %lt3A_85 = vector.broadcast %lt3A_84 : i32 to vector<16xi32>
    %lt3A_86 = arith.cmpi slt, %rem3A_80, %lt3A_85 : vector<16xi32>
    %lt3A_87 = arith.constant 0 : i32
    %lt3A_88 = arith.cmpi slt, %select_n3A_78, %lt3A_87 : i32
    %ne3A_89 = vector.broadcast %lt3A_88 : i1 to vector<16xi1>
    %ne3A_90 = vector.broadcast %ne3A_89 : vector<16xi1> to vector<16xi1>
    %ne3A_91 = arith.xori %lt3A_86, %ne3A_90 : vector<16xi1>
    %and3A_92 = arith.andi %ne3A_91, %ne3A_83 : vector<16xi1>
    %add3A_93 = vector.broadcast %select_n3A_78 : i32 to vector<16xi32>
    %add3A_94 = arith.addi %rem3A_80, %add3A_93 : vector<16xi32>
    %select_n3A_95 = arith.select %and3A_92, %add3A_94, %rem3A_80 : vector<16xi1>, vector<16xi32>
    %add3A_96 = arith.constant 4 : i32
    %add3A_97 = vector.broadcast %add3A_96 : i32 to vector<16xi32>
    %add3A_98 = arith.addi %iota3A, %add3A_97 : vector<16xi32>
    %jit3A_99 = arith.constant 16 : i32
    %eq3A_100 = arith.constant 0 : i32
    %eq3A_101 = arith.cmpi eq, %jit3A_99, %eq3A_100 : i32
    %jit3A_102 = arith.constant 1 : i32
    %select_n3A_103 = arith.select %eq3A_101, %jit3A_102, %jit3A_99 : i32
    %rem3A_104 = vector.broadcast %select_n3A_103 : i32 to vector<16xi32>
    %rem3A_105 = arith.remsi %add3A_98, %rem3A_104 : vector<16xi32>
    %ne3A_106 = arith.constant 0 : i32
    %ne3A_107 = vector.broadcast %ne3A_106 : i32 to vector<16xi32>
    %ne3A_108 = arith.cmpi ne, %rem3A_105, %ne3A_107 : vector<16xi32>
    %lt3A_109 = arith.constant 0 : i32
    %lt3A_110 = vector.broadcast %lt3A_109 : i32 to vector<16xi32>
    %lt3A_111 = arith.cmpi slt, %rem3A_105, %lt3A_110 : vector<16xi32>
    %lt3A_112 = arith.constant 0 : i32
    %lt3A_113 = arith.cmpi slt, %select_n3A_103, %lt3A_112 : i32
    %ne3A_114 = vector.broadcast %lt3A_113 : i1 to vector<16xi1>
    %ne3A_115 = vector.broadcast %ne3A_114 : vector<16xi1> to vector<16xi1>
    %ne3A_116 = arith.xori %lt3A_111, %ne3A_115 : vector<16xi1>
    %and3A_117 = arith.andi %ne3A_116, %ne3A_108 : vector<16xi1>
    %add3A_118 = vector.broadcast %select_n3A_103 : i32 to vector<16xi32>
    %add3A_119 = arith.addi %rem3A_105, %add3A_118 : vector<16xi32>
    %select_n3A_120 = arith.select %and3A_117, %add3A_119, %rem3A_105 : vector<16xi1>, vector<16xi32>
    %add3A_121 = arith.constant 5 : i32
    %add3A_122 = vector.broadcast %add3A_121 : i32 to vector<16xi32>
    %add3A_123 = arith.addi %iota3A, %add3A_122 : vector<16xi32>
    %jit3A_124 = arith.constant 16 : i32
    %eq3A_125 = arith.constant 0 : i32
    %eq3A_126 = arith.cmpi eq, %jit3A_124, %eq3A_125 : i32
    %jit3A_127 = arith.constant 1 : i32
    %select_n3A_128 = arith.select %eq3A_126, %jit3A_127, %jit3A_124 : i32
    %rem3A_129 = vector.broadcast %select_n3A_128 : i32 to vector<16xi32>
    %rem3A_130 = arith.remsi %add3A_123, %rem3A_129 : vector<16xi32>
    %ne3A_131 = arith.constant 0 : i32
    %ne3A_132 = vector.broadcast %ne3A_131 : i32 to vector<16xi32>
    %ne3A_133 = arith.cmpi ne, %rem3A_130, %ne3A_132 : vector<16xi32>
    %lt3A_134 = arith.constant 0 : i32
    %lt3A_135 = vector.broadcast %lt3A_134 : i32 to vector<16xi32>
    %lt3A_136 = arith.cmpi slt, %rem3A_130, %lt3A_135 : vector<16xi32>
    %lt3A_137 = arith.constant 0 : i32
    %lt3A_138 = arith.cmpi slt, %select_n3A_128, %lt3A_137 : i32
    %ne3A_139 = vector.broadcast %lt3A_138 : i1 to vector<16xi1>
    %ne3A_140 = vector.broadcast %ne3A_139 : vector<16xi1> to vector<16xi1>
    %ne3A_141 = arith.xori %lt3A_136, %ne3A_140 : vector<16xi1>
    %and3A_142 = arith.andi %ne3A_141, %ne3A_133 : vector<16xi1>
    %add3A_143 = vector.broadcast %select_n3A_128 : i32 to vector<16xi32>
    %add3A_144 = arith.addi %rem3A_130, %add3A_143 : vector<16xi32>
    %select_n3A_145 = arith.select %and3A_142, %add3A_144, %rem3A_130 : vector<16xi1>, vector<16xi32>
    %add3A_146 = arith.constant 6 : i32
    %add3A_147 = vector.broadcast %add3A_146 : i32 to vector<16xi32>
    %add3A_148 = arith.addi %iota3A, %add3A_147 : vector<16xi32>
    %jit3A_149 = arith.constant 16 : i32
    %eq3A_150 = arith.constant 0 : i32
    %eq3A_151 = arith.cmpi eq, %jit3A_149, %eq3A_150 : i32
    %jit3A_152 = arith.constant 1 : i32
    %select_n3A_153 = arith.select %eq3A_151, %jit3A_152, %jit3A_149 : i32
    %rem3A_154 = vector.broadcast %select_n3A_153 : i32 to vector<16xi32>
    %rem3A_155 = arith.remsi %add3A_148, %rem3A_154 : vector<16xi32>
    %ne3A_156 = arith.constant 0 : i32
    %ne3A_157 = vector.broadcast %ne3A_156 : i32 to vector<16xi32>
    %ne3A_158 = arith.cmpi ne, %rem3A_155, %ne3A_157 : vector<16xi32>
    %lt3A_159 = arith.constant 0 : i32
    %lt3A_160 = vector.broadcast %lt3A_159 : i32 to vector<16xi32>
    %lt3A_161 = arith.cmpi slt, %rem3A_155, %lt3A_160 : vector<16xi32>
    %lt3A_162 = arith.constant 0 : i32
    %lt3A_163 = arith.cmpi slt, %select_n3A_153, %lt3A_162 : i32
    %ne3A_164 = vector.broadcast %lt3A_163 : i1 to vector<16xi1>
    %ne3A_165 = vector.broadcast %ne3A_164 : vector<16xi1> to vector<16xi1>
    %ne3A_166 = arith.xori %lt3A_161, %ne3A_165 : vector<16xi1>
    %and3A_167 = arith.andi %ne3A_166, %ne3A_158 : vector<16xi1>
    %add3A_168 = vector.broadcast %select_n3A_153 : i32 to vector<16xi32>
    %add3A_169 = arith.addi %rem3A_155, %add3A_168 : vector<16xi32>
    %select_n3A_170 = arith.select %and3A_167, %add3A_169, %rem3A_155 : vector<16xi1>, vector<16xi32>
    %add3A_171 = arith.constant 7 : i32
    %add3A_172 = vector.broadcast %add3A_171 : i32 to vector<16xi32>
    %add3A_173 = arith.addi %iota3A, %add3A_172 : vector<16xi32>
    %jit3A_174 = arith.constant 16 : i32
    %eq3A_175 = arith.constant 0 : i32
    %eq3A_176 = arith.cmpi eq, %jit3A_174, %eq3A_175 : i32
    %jit3A_177 = arith.constant 1 : i32
    %select_n3A_178 = arith.select %eq3A_176, %jit3A_177, %jit3A_174 : i32
    %rem3A_179 = vector.broadcast %select_n3A_178 : i32 to vector<16xi32>
    %rem3A_180 = arith.remsi %add3A_173, %rem3A_179 : vector<16xi32>
    %ne3A_181 = arith.constant 0 : i32
    %ne3A_182 = vector.broadcast %ne3A_181 : i32 to vector<16xi32>
    %ne3A_183 = arith.cmpi ne, %rem3A_180, %ne3A_182 : vector<16xi32>
    %lt3A_184 = arith.constant 0 : i32
    %lt3A_185 = vector.broadcast %lt3A_184 : i32 to vector<16xi32>
    %lt3A_186 = arith.cmpi slt, %rem3A_180, %lt3A_185 : vector<16xi32>
    %lt3A_187 = arith.constant 0 : i32
    %lt3A_188 = arith.cmpi slt, %select_n3A_178, %lt3A_187 : i32
    %ne3A_189 = vector.broadcast %lt3A_188 : i1 to vector<16xi1>
    %ne3A_190 = vector.broadcast %ne3A_189 : vector<16xi1> to vector<16xi1>
    %ne3A_191 = arith.xori %lt3A_186, %ne3A_190 : vector<16xi1>
    %and3A_192 = arith.andi %ne3A_191, %ne3A_183 : vector<16xi1>
    %add3A_193 = vector.broadcast %select_n3A_178 : i32 to vector<16xi32>
    %add3A_194 = arith.addi %rem3A_180, %add3A_193 : vector<16xi32>
    %select_n3A_195 = arith.select %and3A_192, %add3A_194, %rem3A_180 : vector<16xi1>, vector<16xi32>
    %add3A_196 = arith.constant 8 : i32
    %add3A_197 = vector.broadcast %add3A_196 : i32 to vector<16xi32>
    %add3A_198 = arith.addi %iota3A, %add3A_197 : vector<16xi32>
    %jit3A_199 = arith.constant 16 : i32
    %eq3A_200 = arith.constant 0 : i32
    %eq3A_201 = arith.cmpi eq, %jit3A_199, %eq3A_200 : i32
    %jit3A_202 = arith.constant 1 : i32
    %select_n3A_203 = arith.select %eq3A_201, %jit3A_202, %jit3A_199 : i32
    %rem3A_204 = vector.broadcast %select_n3A_203 : i32 to vector<16xi32>
    %rem3A_205 = arith.remsi %add3A_198, %rem3A_204 : vector<16xi32>
    %ne3A_206 = arith.constant 0 : i32
    %ne3A_207 = vector.broadcast %ne3A_206 : i32 to vector<16xi32>
    %ne3A_208 = arith.cmpi ne, %rem3A_205, %ne3A_207 : vector<16xi32>
    %lt3A_209 = arith.constant 0 : i32
    %lt3A_210 = vector.broadcast %lt3A_209 : i32 to vector<16xi32>
    %lt3A_211 = arith.cmpi slt, %rem3A_205, %lt3A_210 : vector<16xi32>
    %lt3A_212 = arith.constant 0 : i32
    %lt3A_213 = arith.cmpi slt, %select_n3A_203, %lt3A_212 : i32
    %ne3A_214 = vector.broadcast %lt3A_213 : i1 to vector<16xi1>
    %ne3A_215 = vector.broadcast %ne3A_214 : vector<16xi1> to vector<16xi1>
    %ne3A_216 = arith.xori %lt3A_211, %ne3A_215 : vector<16xi1>
    %and3A_217 = arith.andi %ne3A_216, %ne3A_208 : vector<16xi1>
    %add3A_218 = vector.broadcast %select_n3A_203 : i32 to vector<16xi32>
    %add3A_219 = arith.addi %rem3A_205, %add3A_218 : vector<16xi32>
    %select_n3A_220 = arith.select %and3A_217, %add3A_219, %rem3A_205 : vector<16xi1>, vector<16xi32>
    %add3A_221 = arith.constant 9 : i32
    %add3A_222 = vector.broadcast %add3A_221 : i32 to vector<16xi32>
    %add3A_223 = arith.addi %iota3A, %add3A_222 : vector<16xi32>
    %jit3A_224 = arith.constant 16 : i32
    %eq3A_225 = arith.constant 0 : i32
    %eq3A_226 = arith.cmpi eq, %jit3A_224, %eq3A_225 : i32
    %jit3A_227 = arith.constant 1 : i32
    %select_n3A_228 = arith.select %eq3A_226, %jit3A_227, %jit3A_224 : i32
    %rem3A_229 = vector.broadcast %select_n3A_228 : i32 to vector<16xi32>
    %rem3A_230 = arith.remsi %add3A_223, %rem3A_229 : vector<16xi32>
    %ne3A_231 = arith.constant 0 : i32
    %ne3A_232 = vector.broadcast %ne3A_231 : i32 to vector<16xi32>
    %ne3A_233 = arith.cmpi ne, %rem3A_230, %ne3A_232 : vector<16xi32>
    %lt3A_234 = arith.constant 0 : i32
    %lt3A_235 = vector.broadcast %lt3A_234 : i32 to vector<16xi32>
    %lt3A_236 = arith.cmpi slt, %rem3A_230, %lt3A_235 : vector<16xi32>
    %lt3A_237 = arith.constant 0 : i32
    %lt3A_238 = arith.cmpi slt, %select_n3A_228, %lt3A_237 : i32
    %ne3A_239 = vector.broadcast %lt3A_238 : i1 to vector<16xi1>
    %ne3A_240 = vector.broadcast %ne3A_239 : vector<16xi1> to vector<16xi1>
    %ne3A_241 = arith.xori %lt3A_236, %ne3A_240 : vector<16xi1>
    %and3A_242 = arith.andi %ne3A_241, %ne3A_233 : vector<16xi1>
    %add3A_243 = vector.broadcast %select_n3A_228 : i32 to vector<16xi32>
    %add3A_244 = arith.addi %rem3A_230, %add3A_243 : vector<16xi32>
    %select_n3A_245 = arith.select %and3A_242, %add3A_244, %rem3A_230 : vector<16xi1>, vector<16xi32>
    %add3A_246 = arith.constant 10 : i32
    %add3A_247 = vector.broadcast %add3A_246 : i32 to vector<16xi32>
    %add3A_248 = arith.addi %iota3A, %add3A_247 : vector<16xi32>
    %jit3A_249 = arith.constant 16 : i32
    %eq3A_250 = arith.constant 0 : i32
    %eq3A_251 = arith.cmpi eq, %jit3A_249, %eq3A_250 : i32
    %jit3A_252 = arith.constant 1 : i32
    %select_n3A_253 = arith.select %eq3A_251, %jit3A_252, %jit3A_249 : i32
    %rem3A_254 = vector.broadcast %select_n3A_253 : i32 to vector<16xi32>
    %rem3A_255 = arith.remsi %add3A_248, %rem3A_254 : vector<16xi32>
    %ne3A_256 = arith.constant 0 : i32
    %ne3A_257 = vector.broadcast %ne3A_256 : i32 to vector<16xi32>
    %ne3A_258 = arith.cmpi ne, %rem3A_255, %ne3A_257 : vector<16xi32>
    %lt3A_259 = arith.constant 0 : i32
    %lt3A_260 = vector.broadcast %lt3A_259 : i32 to vector<16xi32>
    %lt3A_261 = arith.cmpi slt, %rem3A_255, %lt3A_260 : vector<16xi32>
    %lt3A_262 = arith.constant 0 : i32
    %lt3A_263 = arith.cmpi slt, %select_n3A_253, %lt3A_262 : i32
    %ne3A_264 = vector.broadcast %lt3A_263 : i1 to vector<16xi1>
    %ne3A_265 = vector.broadcast %ne3A_264 : vector<16xi1> to vector<16xi1>
    %ne3A_266 = arith.xori %lt3A_261, %ne3A_265 : vector<16xi1>
    %and3A_267 = arith.andi %ne3A_266, %ne3A_258 : vector<16xi1>
    %add3A_268 = vector.broadcast %select_n3A_253 : i32 to vector<16xi32>
    %add3A_269 = arith.addi %rem3A_255, %add3A_268 : vector<16xi32>
    %select_n3A_270 = arith.select %and3A_267, %add3A_269, %rem3A_255 : vector<16xi1>, vector<16xi32>
    %add3A_271 = arith.constant 11 : i32
    %add3A_272 = vector.broadcast %add3A_271 : i32 to vector<16xi32>
    %add3A_273 = arith.addi %iota3A, %add3A_272 : vector<16xi32>
    %jit3A_274 = arith.constant 16 : i32
    %eq3A_275 = arith.constant 0 : i32
    %eq3A_276 = arith.cmpi eq, %jit3A_274, %eq3A_275 : i32
    %jit3A_277 = arith.constant 1 : i32
    %select_n3A_278 = arith.select %eq3A_276, %jit3A_277, %jit3A_274 : i32
    %rem3A_279 = vector.broadcast %select_n3A_278 : i32 to vector<16xi32>
    %rem3A_280 = arith.remsi %add3A_273, %rem3A_279 : vector<16xi32>
    %ne3A_281 = arith.constant 0 : i32
    %ne3A_282 = vector.broadcast %ne3A_281 : i32 to vector<16xi32>
    %ne3A_283 = arith.cmpi ne, %rem3A_280, %ne3A_282 : vector<16xi32>
    %lt3A_284 = arith.constant 0 : i32
    %lt3A_285 = vector.broadcast %lt3A_284 : i32 to vector<16xi32>
    %lt3A_286 = arith.cmpi slt, %rem3A_280, %lt3A_285 : vector<16xi32>
    %lt3A_287 = arith.constant 0 : i32
    %lt3A_288 = arith.cmpi slt, %select_n3A_278, %lt3A_287 : i32
    %ne3A_289 = vector.broadcast %lt3A_288 : i1 to vector<16xi1>
    %ne3A_290 = vector.broadcast %ne3A_289 : vector<16xi1> to vector<16xi1>
    %ne3A_291 = arith.xori %lt3A_286, %ne3A_290 : vector<16xi1>
    %and3A_292 = arith.andi %ne3A_291, %ne3A_283 : vector<16xi1>
    %add3A_293 = vector.broadcast %select_n3A_278 : i32 to vector<16xi32>
    %add3A_294 = arith.addi %rem3A_280, %add3A_293 : vector<16xi32>
    %select_n3A_295 = arith.select %and3A_292, %add3A_294, %rem3A_280 : vector<16xi1>, vector<16xi32>
    %add3A_296 = arith.constant 12 : i32
    %add3A_297 = vector.broadcast %add3A_296 : i32 to vector<16xi32>
    %add3A_298 = arith.addi %iota3A, %add3A_297 : vector<16xi32>
    %jit3A_299 = arith.constant 16 : i32
    %eq3A_300 = arith.constant 0 : i32
    %eq3A_301 = arith.cmpi eq, %jit3A_299, %eq3A_300 : i32
    %jit3A_302 = arith.constant 1 : i32
    %select_n3A_303 = arith.select %eq3A_301, %jit3A_302, %jit3A_299 : i32
    %rem3A_304 = vector.broadcast %select_n3A_303 : i32 to vector<16xi32>
    %rem3A_305 = arith.remsi %add3A_298, %rem3A_304 : vector<16xi32>
    %ne3A_306 = arith.constant 0 : i32
    %ne3A_307 = vector.broadcast %ne3A_306 : i32 to vector<16xi32>
    %ne3A_308 = arith.cmpi ne, %rem3A_305, %ne3A_307 : vector<16xi32>
    %lt3A_309 = arith.constant 0 : i32
    %lt3A_310 = vector.broadcast %lt3A_309 : i32 to vector<16xi32>
    %lt3A_311 = arith.cmpi slt, %rem3A_305, %lt3A_310 : vector<16xi32>
    %lt3A_312 = arith.constant 0 : i32
    %lt3A_313 = arith.cmpi slt, %select_n3A_303, %lt3A_312 : i32
    %ne3A_314 = vector.broadcast %lt3A_313 : i1 to vector<16xi1>
    %ne3A_315 = vector.broadcast %ne3A_314 : vector<16xi1> to vector<16xi1>
    %ne3A_316 = arith.xori %lt3A_311, %ne3A_315 : vector<16xi1>
    %and3A_317 = arith.andi %ne3A_316, %ne3A_308 : vector<16xi1>
    %add3A_318 = vector.broadcast %select_n3A_303 : i32 to vector<16xi32>
    %add3A_319 = arith.addi %rem3A_305, %add3A_318 : vector<16xi32>
    %select_n3A_320 = arith.select %and3A_317, %add3A_319, %rem3A_305 : vector<16xi1>, vector<16xi32>
    %add3A_321 = arith.constant 13 : i32
    %add3A_322 = vector.broadcast %add3A_321 : i32 to vector<16xi32>
    %add3A_323 = arith.addi %iota3A, %add3A_322 : vector<16xi32>
    %jit3A_324 = arith.constant 16 : i32
    %eq3A_325 = arith.constant 0 : i32
    %eq3A_326 = arith.cmpi eq, %jit3A_324, %eq3A_325 : i32
    %jit3A_327 = arith.constant 1 : i32
    %select_n3A_328 = arith.select %eq3A_326, %jit3A_327, %jit3A_324 : i32
    %rem3A_329 = vector.broadcast %select_n3A_328 : i32 to vector<16xi32>
    %rem3A_330 = arith.remsi %add3A_323, %rem3A_329 : vector<16xi32>
    %ne3A_331 = arith.constant 0 : i32
    %ne3A_332 = vector.broadcast %ne3A_331 : i32 to vector<16xi32>
    %ne3A_333 = arith.cmpi ne, %rem3A_330, %ne3A_332 : vector<16xi32>
    %lt3A_334 = arith.constant 0 : i32
    %lt3A_335 = vector.broadcast %lt3A_334 : i32 to vector<16xi32>
    %lt3A_336 = arith.cmpi slt, %rem3A_330, %lt3A_335 : vector<16xi32>
    %lt3A_337 = arith.constant 0 : i32
    %lt3A_338 = arith.cmpi slt, %select_n3A_328, %lt3A_337 : i32
    %ne3A_339 = vector.broadcast %lt3A_338 : i1 to vector<16xi1>
    %ne3A_340 = vector.broadcast %ne3A_339 : vector<16xi1> to vector<16xi1>
    %ne3A_341 = arith.xori %lt3A_336, %ne3A_340 : vector<16xi1>
    %and3A_342 = arith.andi %ne3A_341, %ne3A_333 : vector<16xi1>
    %add3A_343 = vector.broadcast %select_n3A_328 : i32 to vector<16xi32>
    %add3A_344 = arith.addi %rem3A_330, %add3A_343 : vector<16xi32>
    %select_n3A_345 = arith.select %and3A_342, %add3A_344, %rem3A_330 : vector<16xi1>, vector<16xi32>
    %add3A_346 = arith.constant 14 : i32
    %add3A_347 = vector.broadcast %add3A_346 : i32 to vector<16xi32>
    %add3A_348 = arith.addi %iota3A, %add3A_347 : vector<16xi32>
    %jit3A_349 = arith.constant 16 : i32
    %eq3A_350 = arith.constant 0 : i32
    %eq3A_351 = arith.cmpi eq, %jit3A_349, %eq3A_350 : i32
    %jit3A_352 = arith.constant 1 : i32
    %select_n3A_353 = arith.select %eq3A_351, %jit3A_352, %jit3A_349 : i32
    %rem3A_354 = vector.broadcast %select_n3A_353 : i32 to vector<16xi32>
    %rem3A_355 = arith.remsi %add3A_348, %rem3A_354 : vector<16xi32>
    %ne3A_356 = arith.constant 0 : i32
    %ne3A_357 = vector.broadcast %ne3A_356 : i32 to vector<16xi32>
    %ne3A_358 = arith.cmpi ne, %rem3A_355, %ne3A_357 : vector<16xi32>
    %lt3A_359 = arith.constant 0 : i32
    %lt3A_360 = vector.broadcast %lt3A_359 : i32 to vector<16xi32>
    %lt3A_361 = arith.cmpi slt, %rem3A_355, %lt3A_360 : vector<16xi32>
    %lt3A_362 = arith.constant 0 : i32
    %lt3A_363 = arith.cmpi slt, %select_n3A_353, %lt3A_362 : i32
    %ne3A_364 = vector.broadcast %lt3A_363 : i1 to vector<16xi1>
    %ne3A_365 = vector.broadcast %ne3A_364 : vector<16xi1> to vector<16xi1>
    %ne3A_366 = arith.xori %lt3A_361, %ne3A_365 : vector<16xi1>
    %and3A_367 = arith.andi %ne3A_366, %ne3A_358 : vector<16xi1>
    %add3A_368 = vector.broadcast %select_n3A_353 : i32 to vector<16xi32>
    %add3A_369 = arith.addi %rem3A_355, %add3A_368 : vector<16xi32>
    %select_n3A_370 = arith.select %and3A_367, %add3A_369, %rem3A_355 : vector<16xi1>, vector<16xi32>
    %add3A_371 = arith.constant 15 : i32
    %add3A_372 = vector.broadcast %add3A_371 : i32 to vector<16xi32>
    %add3A_373 = arith.addi %iota3A, %add3A_372 : vector<16xi32>
    %jit3A_374 = arith.constant 16 : i32
    %eq3A_375 = arith.constant 0 : i32
    %eq3A_376 = arith.cmpi eq, %jit3A_374, %eq3A_375 : i32
    %jit3A_377 = arith.constant 1 : i32
    %select_n3A_378 = arith.select %eq3A_376, %jit3A_377, %jit3A_374 : i32
    %rem3A_379 = vector.broadcast %select_n3A_378 : i32 to vector<16xi32>
    %rem3A_380 = arith.remsi %add3A_373, %rem3A_379 : vector<16xi32>
    %ne3A_381 = arith.constant 0 : i32
    %ne3A_382 = vector.broadcast %ne3A_381 : i32 to vector<16xi32>
    %ne3A_383 = arith.cmpi ne, %rem3A_380, %ne3A_382 : vector<16xi32>
    %lt3A_384 = arith.constant 0 : i32
    %lt3A_385 = vector.broadcast %lt3A_384 : i32 to vector<16xi32>
    %lt3A_386 = arith.cmpi slt, %rem3A_380, %lt3A_385 : vector<16xi32>
    %lt3A_387 = arith.constant 0 : i32
    %lt3A_388 = arith.cmpi slt, %select_n3A_378, %lt3A_387 : i32
    %ne3A_389 = vector.broadcast %lt3A_388 : i1 to vector<16xi1>
    %ne3A_390 = vector.broadcast %ne3A_389 : vector<16xi1> to vector<16xi1>
    %ne3A_391 = arith.xori %lt3A_386, %ne3A_390 : vector<16xi1>
    %and3A_392 = arith.andi %ne3A_391, %ne3A_383 : vector<16xi1>
    %add3A_393 = vector.broadcast %select_n3A_378 : i32 to vector<16xi32>
    %add3A_394 = arith.addi %rem3A_380, %add3A_393 : vector<16xi32>
    %select_n3A_395 = arith.select %and3A_392, %add3A_394, %rem3A_380 : vector<16xi1>, vector<16xi32>
    %dma_start3A = arith.constant 0 : i32
    %dma_start3A_396 = arith.constant 0 : i32
    %dma_start3A_397 = arith.constant 0 : i32
    %dma_start3A_398 = arith.constant 0 : i32
    %dma_start3A_399 = tpu.memref_slice %arg6[%dma_start3A_396, %dma_start3A_397, %dma_start3A_398] : memref<3x128x128xf32, #tpu.memory_space<vmem>> -> memref<1x128x128xf32, #tpu.memory_space<vmem>>
    %dma_start3A_400 = tpu.memref_squeeze %dma_start3A_399 : memref<1x128x128xf32, #tpu.memory_space<vmem>> -> memref<128x128xf32, #tpu.memory_space<vmem>>
    %dma_start3A_401 = arith.constant 0 : i32
    %dma_start3A_402 = tpu.memref_slice %arg5[%dma_start3A, %dma_start3A_401] : memref<50x128xi32, #tpu.memory_space<vmem>> -> memref<1x128xi32, #tpu.memory_space<vmem>>
    %dma_start3A_403 = tpu.memref_squeeze %dma_start3A_402 : memref<1x128xi32, #tpu.memory_space<vmem>> -> memref<128xi32, #tpu.memory_space<vmem>>
    %dma_start3A_404 = arith.constant 0 : i32
    %dma_start3A_405 = arith.constant 0 : i32
    %dma_start3A_406 = tpu.memref_slice %arg3[%dma_start3A_404, %dma_start3A_405] : memref<1000000x128xf32, #tpu.memory_space<hbm>> -> memref<1000000x128xf32, #tpu.memory_space<hbm>>
    tpu.enqueue_indirect_dma source(%dma_start3A_406 : memref<1000000x128xf32, #tpu.memory_space<hbm>>) target(%dma_start3A_400 : memref<128x128xf32, #tpu.memory_space<vmem>>) offsets(%dma_start3A_403 : memref<128xi32, #tpu.memory_space<vmem>>) semaphore(%arg8 : memref<!tpu.dma_semaphore, #tpu.memory_space<semaphore_mem>>)
    %dma_start3A_407 = arith.constant 1 : i32
    %dma_start3A_408 = arith.constant 1 : i32
    %dma_start3A_409 = arith.constant 0 : i32
    %dma_start3A_410 = arith.constant 0 : i32
    %dma_start3A_411 = tpu.memref_slice %arg6[%dma_start3A_408, %dma_start3A_409, %dma_start3A_410] : memref<3x128x128xf32, #tpu.memory_space<vmem>> -> memref<1x128x128xf32, #tpu.memory_space<vmem>>
    %dma_start3A_412 = tpu.memref_squeeze %dma_start3A_411 : memref<1x128x128xf32, #tpu.memory_space<vmem>> -> memref<128x128xf32, #tpu.memory_space<vmem>>
    %dma_start3A_413 = arith.constant 0 : i32
    %dma_start3A_414 = tpu.memref_slice %arg5[%dma_start3A_407, %dma_start3A_413] : memref<50x128xi32, #tpu.memory_space<vmem>> -> memref<1x128xi32, #tpu.memory_space<vmem>>
    %dma_start3A_415 = tpu.memref_squeeze %dma_start3A_414 : memref<1x128xi32, #tpu.memory_space<vmem>> -> memref<128xi32, #tpu.memory_space<vmem>>
    %dma_start3A_416 = arith.constant 0 : i32
    %dma_start3A_417 = arith.constant 0 : i32
    %dma_start3A_418 = tpu.memref_slice %arg3[%dma_start3A_416, %dma_start3A_417] : memref<1000000x128xf32, #tpu.memory_space<hbm>> -> memref<1000000x128xf32, #tpu.memory_space<hbm>>
    tpu.enqueue_indirect_dma source(%dma_start3A_418 : memref<1000000x128xf32, #tpu.memory_space<hbm>>) target(%dma_start3A_412 : memref<128x128xf32, #tpu.memory_space<vmem>>) offsets(%dma_start3A_415 : memref<128xi32, #tpu.memory_space<vmem>>) semaphore(%arg9 : memref<!tpu.dma_semaphore, #tpu.memory_space<semaphore_mem>>)
    %scan3A = arith.constant 0 : i32
    %scan3A_419 = arith.constant 17 : i32
    %scan3A_420 = arith.addi %scan3A, %scan3A_419 : i32
    %scan3A_421 = arith.constant 1 : i32
    scf.for %scan3A_438 = %scan3A to %scan3A_420 step %scan3A_421  : i32 {
      %mul3A_439 = arith.constant 3 : i32
      %mul3A_440 = arith.muli %scan3A_438, %mul3A_439 : i32
      %add3A_441 = arith.constant 0 : i32
      %add3A_442 = arith.addi %add3A_441, %mul3A_440 : i32
      %add3A_443 = arith.constant 0 : i32
      %add3A_444 = arith.addi %add3A_442, %add3A_443 : i32
      %sub3A = arith.constant 2 : i32
      %sub3A_445 = arith.subi %add3A_444, %sub3A : i32
      %ge3A = arith.constant 0 : i32
      %ge3A_446 = arith.cmpi sge, %sub3A_445, %ge3A : i32
      %sub3A_447 = arith.constant 2 : i32
      %sub3A_448 = arith.subi %add3A_444, %sub3A_447 : i32
      %lt3A_449 = arith.constant 50 : i32
      %lt3A_450 = arith.cmpi slt, %sub3A_448, %lt3A_449 : i32
      %and3A_451 = arith.andi %ge3A_446, %lt3A_450 : i1
      %convert_element_type3A = arith.extui %and3A_451 : i1 to i32
      %cond3A = arith.constant 0 : i32
      %cond3A_452 = arith.cmpi ne, %convert_element_type3A, %cond3A : i32
      scf.if %cond3A_452 {
        %sub3A_517 = arith.constant 2 : i32
        %sub3A_518 = arith.subi %add3A_444, %sub3A_517 : i32
        %dma_wait3A_519 = arith.constant 1 : i32
        %dma_wait3A_520 = arith.constant 0 : i32
        %dma_wait3A_521 = arith.constant 0 : i32
        %dma_wait3A_522 = tpu.memref_slice %arg7[%dma_wait3A_519, %dma_wait3A_520, %dma_wait3A_521] : memref<3x64x128xf32, #tpu.memory_space<vmem>> -> memref<1x64x128xf32, #tpu.memory_space<vmem>>
        %dma_wait3A_523 = tpu.memref_squeeze %dma_wait3A_522 : memref<1x64x128xf32, #tpu.memory_space<vmem>> -> memref<64x128xf32, #tpu.memory_space<vmem>>
        %dma_wait3A_524 = arith.constant 0 : i32
        %dma_wait3A_525 = tpu.memref_slice %arg4[%sub3A_518, %dma_wait3A_524, %mul3A_2] : memref<50x64x4096xf32, #tpu.memory_space<hbm>> -> memref<1x64x128xf32, #tpu.memory_space<hbm>>
        %dma_wait3A_526 = tpu.memref_squeeze %dma_wait3A_525 : memref<1x64x128xf32, #tpu.memory_space<hbm>> -> memref<64x128xf32, #tpu.memory_space<hbm>>
        %dma_wait3A_527 = arith.constant 0 : i32
        %dma_wait3A_528 = tpu.memref_slice %arg4[%sub3A_518, %dma_wait3A_527, %mul3A_2] : memref<50x64x4096xf32, #tpu.memory_space<hbm>> -> memref<1x64x128xf32, #tpu.memory_space<hbm>>
        %dma_wait3A_529 = tpu.memref_squeeze %dma_wait3A_528 : memref<1x64x128xf32, #tpu.memory_space<hbm>> -> memref<64x128xf32, #tpu.memory_space<hbm>>
        %dma_wait3A_530 = arith.constant 0 : i32
        %dma_wait3A_531 = arith.constant 0 : i32
        %dma_wait3A_532 = tpu.memref_slice %arg7[%dma_wait3A_519, %dma_wait3A_530, %dma_wait3A_531] : memref<3x64x128xf32, #tpu.memory_space<vmem>> -> memref<1x64x128xf32, #tpu.memory_space<vmem>>
        %dma_wait3A_533 = tpu.memref_squeeze %dma_wait3A_532 : memref<1x64x128xf32, #tpu.memory_space<vmem>> -> memref<64x128xf32, #tpu.memory_space<vmem>>
        tpu.wait_dma2 semaphore(%arg12 : memref<!tpu.dma_semaphore, #tpu.memory_space<semaphore_mem>>) src(%dma_wait3A_533 : memref<64x128xf32, #tpu.memory_space<vmem>>) dst(%dma_wait3A_529 : memref<64x128xf32, #tpu.memory_space<hbm>>)
      } else {
      }
      %add3A_453 = arith.constant 2 : i32
      %add3A_454 = arith.addi %add3A_444, %add3A_453 : i32
      %lt3A_455 = arith.constant 50 : i32
      %lt3A_456 = arith.cmpi slt, %add3A_454, %lt3A_455 : i32
      %convert_element_type3A_457 = arith.extui %lt3A_456 : i1 to i32
      %cond3A_458 = arith.constant 0 : i32
      %cond3A_459 = arith.cmpi ne, %convert_element_type3A_457, %cond3A_458 : i32
      scf.if %cond3A_459 {
        %add3A_517 = arith.constant 2 : i32
        %add3A_518 = arith.addi %add3A_444, %add3A_517 : i32
        %dma_start3A_519 = arith.constant 2 : i32
        %dma_start3A_520 = arith.constant 0 : i32
        %dma_start3A_521 = arith.constant 0 : i32
        %dma_start3A_522 = tpu.memref_slice %arg6[%dma_start3A_519, %dma_start3A_520, %dma_start3A_521] : memref<3x128x128xf32, #tpu.memory_space<vmem>> -> memref<1x128x128xf32, #tpu.memory_space<vmem>>
        %dma_start3A_523 = tpu.memref_squeeze %dma_start3A_522 : memref<1x128x128xf32, #tpu.memory_space<vmem>> -> memref<128x128xf32, #tpu.memory_space<vmem>>
        %dma_start3A_524 = arith.constant 0 : i32
        %dma_start3A_525 = tpu.memref_slice %arg5[%add3A_518, %dma_start3A_524] : memref<50x128xi32, #tpu.memory_space<vmem>> -> memref<1x128xi32, #tpu.memory_space<vmem>>
        %dma_start3A_526 = tpu.memref_squeeze %dma_start3A_525 : memref<1x128xi32, #tpu.memory_space<vmem>> -> memref<128xi32, #tpu.memory_space<vmem>>
        %dma_start3A_527 = arith.constant 0 : i32
        %dma_start3A_528 = arith.constant 0 : i32
        %dma_start3A_529 = tpu.memref_slice %arg3[%dma_start3A_527, %dma_start3A_528] : memref<1000000x128xf32, #tpu.memory_space<hbm>> -> memref<1000000x128xf32, #tpu.memory_space<hbm>>
        tpu.enqueue_indirect_dma source(%dma_start3A_529 : memref<1000000x128xf32, #tpu.memory_space<hbm>>) target(%dma_start3A_523 : memref<128x128xf32, #tpu.memory_space<vmem>>) offsets(%dma_start3A_526 : memref<128xi32, #tpu.memory_space<vmem>>) semaphore(%arg10 : memref<!tpu.dma_semaphore, #tpu.memory_space<semaphore_mem>>)
      } else {
      }
      %lt3A_460 = arith.constant 50 : i32
      %lt3A_461 = arith.cmpi slt, %add3A_444, %lt3A_460 : i32
      %convert_element_type3A_462 = arith.extui %lt3A_461 : i1 to i32
      %cond3A_463 = arith.constant 0 : i32
      %cond3A_464 = arith.cmpi ne, %convert_element_type3A_462, %cond3A_463 : i32
      scf.if %cond3A_464 {
        %dma_wait3A_517 = arith.constant 0 : i32
        %dma_wait3A_518 = arith.constant 0 : i32
        %dma_wait3A_519 = arith.constant 0 : i32
        %dma_wait3A_520 = tpu.memref_slice %arg6[%dma_wait3A_517, %dma_wait3A_518, %dma_wait3A_519] : memref<3x128x128xf32, #tpu.memory_space<vmem>> -> memref<1x128x128xf32, #tpu.memory_space<vmem>>
        %dma_wait3A_521 = tpu.memref_squeeze %dma_wait3A_520 : memref<1x128x128xf32, #tpu.memory_space<vmem>> -> memref<128x128xf32, #tpu.memory_space<vmem>>
        %dma_wait3A_522 = arith.constant 0 : i32
        %dma_wait3A_523 = tpu.memref_slice %arg5[%add3A_444, %dma_wait3A_522] : memref<50x128xi32, #tpu.memory_space<vmem>> -> memref<1x128xi32, #tpu.memory_space<vmem>>
        %dma_wait3A_524 = tpu.memref_squeeze %dma_wait3A_523 : memref<1x128xi32, #tpu.memory_space<vmem>> -> memref<128xi32, #tpu.memory_space<vmem>>
        %dma_wait3A_525 = arith.constant 0 : i32
        %dma_wait3A_526 = arith.constant 0 : i32
        %dma_wait3A_527 = tpu.memref_slice %arg3[%dma_wait3A_525, %dma_wait3A_526] : memref<1000000x128xf32, #tpu.memory_space<hbm>> -> memref<1000000x128xf32, #tpu.memory_space<hbm>>
        tpu.wait_indirect_dma semaphore(%arg8 : memref<!tpu.dma_semaphore, #tpu.memory_space<semaphore_mem>>) src(%dma_wait3A_527 : memref<1000000x128xf32, #tpu.memory_space<hbm>>) dst(%dma_wait3A_521 : memref<128x128xf32, #tpu.memory_space<vmem>>)
        %scan3A_528 = arith.constant 0 : i32
        %scan3A_529 = arith.constant 0 : i32
        %scan3A_530 = arith.constant 0 : i32
        %scan3A_531 = arith.constant 8 : i32
        %scan3A_532 = arith.addi %scan3A_530, %scan3A_531 : i32
        %scan3A_533 = arith.constant 1 : i32
        scf.for %scan3A_550 = %scan3A_530 to %scan3A_532 step %scan3A_533  : i32 {
          %mul3A_551 = arith.constant 16 : i32
          %mul3A_552 = arith.muli %scan3A_550, %mul3A_551 : i32
          %add3A_553 = arith.constant 0 : i32
          %add3A_554 = arith.addi %add3A_553, %mul3A_552 : i32
          %add3A_555 = vector.broadcast %add3A_554 : i32 to vector<16xi32>
          %add3A_556 = arith.addi %iota3A, %add3A_555 : vector<16xi32>
          %scan3A_557 = arith.constant 0 : i32
          %scan3A_558 = arith.constant 4 : i32
          %scan3A_559 = arith.addi %scan3A_557, %scan3A_558 : i32
          %scan3A_560 = arith.constant 1 : i32
          scf.for %scan3A_562 = %scan3A_557 to %scan3A_559 step %scan3A_560  : i32 {
            %mul3A_563 = arith.constant 16 : i32
            %mul3A_564 = arith.muli %scan3A_562, %mul3A_563 : i32
            %add3A_565 = arith.constant 0 : i32
            %add3A_566 = arith.addi %add3A_565, %mul3A_564 : i32
            %add3A_567 = vector.broadcast %add3A_566 : i32 to vector<16xi32>
            %add3A_568 = arith.addi %select_n3A_20, %add3A_567 : vector<16xi32>
            %gather3A = arith.constant 0 : i32
            %gather3A_569 = arith.constant 0 : i32
            %gather3A_570 = tpu.memref_slice %arg6[%scan3A_528, %gather3A, %gather3A_569] : memref<3x128x128xf32, #tpu.memory_space<vmem>> -> memref<1x128x128xf32, #tpu.memory_space<vmem>>
            %gather3A_571 = tpu.memref_squeeze %gather3A_570 : memref<1x128x128xf32, #tpu.memory_space<vmem>> -> memref<128x128xf32, #tpu.memory_space<vmem>>
            %gather3A_572 = tpu.vector_load_idx %gather3A_571[%add3A_556, %add3A_568] : memref<128x128xf32, #tpu.memory_space<vmem>>[vector<16xi32>, vector<16xi32>], vector<16xf32>,
            %scatter3A = arith.constant 0 : i32
            %scatter3A_573 = arith.constant 0 : i32
            %scatter3A_574 = tpu.memref_slice %arg7[%scan3A_529, %scatter3A, %scatter3A_573] : memref<3x64x128xf32, #tpu.memory_space<vmem>> -> memref<1x64x128xf32, #tpu.memory_space<vmem>>
            %scatter3A_575 = tpu.memref_squeeze %scatter3A_574 : memref<1x64x128xf32, #tpu.memory_space<vmem>> -> memref<64x128xf32, #tpu.memory_space<vmem>>
            tpu.vector_store_idx %scatter3A_575[%add3A_568, %add3A_556], %gather3A_572 : memref<64x128xf32, #tpu.memory_space<vmem>>[vector<16xi32>, vector<16xi32>], vector<16xf32>,
            %add3A_576 = vector.broadcast %add3A_566 : i32 to vector<16xi32>
            %add3A_577 = arith.addi %select_n3A_45, %add3A_576 : vector<16xi32>
            %gather3A_578 = arith.constant 0 : i32
            %gather3A_579 = arith.constant 0 : i32
            %gather3A_580 = tpu.memref_slice %arg6[%scan3A_528, %gather3A_578, %gather3A_579] : memref<3x128x128xf32, #tpu.memory_space<vmem>> -> memref<1x128x128xf32, #tpu.memory_space<vmem>>
            %gather3A_581 = tpu.memref_squeeze %gather3A_580 : memref<1x128x128xf32, #tpu.memory_space<vmem>> -> memref<128x128xf32, #tpu.memory_space<vmem>>
            %gather3A_582 = tpu.vector_load_idx %gather3A_581[%add3A_556, %add3A_577] : memref<128x128xf32, #tpu.memory_space<vmem>>[vector<16xi32>, vector<16xi32>], vector<16xf32>,
            %scatter3A_583 = arith.constant 0 : i32
            %scatter3A_584 = arith.constant 0 : i32
            %scatter3A_585 = tpu.memref_slice %arg7[%scan3A_529, %scatter3A_583, %scatter3A_584] : memref<3x64x128xf32, #tpu.memory_space<vmem>> -> memref<1x64x128xf32, #tpu.memory_space<vmem>>
            %scatter3A_586 = tpu.memref_squeeze %scatter3A_585 : memref<1x64x128xf32, #tpu.memory_space<vmem>> -> memref<64x128xf32, #tpu.memory_space<vmem>>
            tpu.vector_store_idx %scatter3A_586[%add3A_577, %add3A_556], %gather3A_582 : memref<64x128xf32, #tpu.memory_space<vmem>>[vector<16xi32>, vector<16xi32>], vector<16xf32>,
            %add3A_587 = vector.broadcast %add3A_566 : i32 to vector<16xi32>
            %add3A_588 = arith.addi %select_n3A_70, %add3A_587 : vector<16xi32>
            %gather3A_589 = arith.constant 0 : i32
            %gather3A_590 = arith.constant 0 : i32
            %gather3A_591 = tpu.memref_slice %arg6[%scan3A_528, %gather3A_589, %gather3A_590] : memref<3x128x128xf32, #tpu.memory_space<vmem>> -> memref<1x128x128xf32, #tpu.memory_space<vmem>>
            %gather3A_592 = tpu.memref_squeeze %gather3A_591 : memref<1x128x128xf32, #tpu.memory_space<vmem>> -> memref<128x128xf32, #tpu.memory_space<vmem>>
            %gather3A_593 = tpu.vector_load_idx %gather3A_592[%add3A_556, %add3A_588] : memref<128x128xf32, #tpu.memory_space<vmem>>[vector<16xi32>, vector<16xi32>], vector<16xf32>,
            %scatter3A_594 = arith.constant 0 : i32
            %scatter3A_595 = arith.constant 0 : i32
            %scatter3A_596 = tpu.memref_slice %arg7[%scan3A_529, %scatter3A_594, %scatter3A_595] : memref<3x64x128xf32, #tpu.memory_space<vmem>> -> memref<1x64x128xf32, #tpu.memory_space<vmem>>
            %scatter3A_597 = tpu.memref_squeeze %scatter3A_596 : memref<1x64x128xf32, #tpu.memory_space<vmem>> -> memref<64x128xf32, #tpu.memory_space<vmem>>
            tpu.vector_store_idx %scatter3A_597[%add3A_588, %add3A_556], %gather3A_593 : memref<64x128xf32, #tpu.memory_space<vmem>>[vector<16xi32>, vector<16xi32>], vector<16xf32>,
            %add3A_598 = vector.broadcast %add3A_566 : i32 to vector<16xi32>
            %add3A_599 = arith.addi %select_n3A_95, %add3A_598 : vector<16xi32>
            %gather3A_600 = arith.constant 0 : i32
            %gather3A_601 = arith.constant 0 : i32
            %gather3A_602 = tpu.memref_slice %arg6[%scan3A_528, %gather3A_600, %gather3A_601] : memref<3x128x128xf32, #tpu.memory_space<vmem>> -> memref<1x128x128xf32, #tpu.memory_space<vmem>>
            %gather3A_603 = tpu.memref_squeeze %gather3A_602 : memref<1x128x128xf32, #tpu.memory_space<vmem>> -> memref<128x128xf32, #tpu.memory_space<vmem>>
            %gather3A_604 = tpu.vector_load_idx %gather3A_603[%add3A_556, %add3A_599] : memref<128x128xf32, #tpu.memory_space<vmem>>[vector<16xi32>, vector<16xi32>], vector<16xf32>,
            %scatter3A_605 = arith.constant 0 : i32
            %scatter3A_606 = arith.constant 0 : i32
            %scatter3A_607 = tpu.memref_slice %arg7[%scan3A_529, %scatter3A_605, %scatter3A_606] : memref<3x64x128xf32, #tpu.memory_space<vmem>> -> memref<1x64x128xf32, #tpu.memory_space<vmem>>
            %scatter3A_608 = tpu.memref_squeeze %scatter3A_607 : memref<1x64x128xf32, #tpu.memory_space<vmem>> -> memref<64x128xf32, #tpu.memory_space<vmem>>
            tpu.vector_store_idx %scatter3A_608[%add3A_599, %add3A_556], %gather3A_604 : memref<64x128xf32, #tpu.memory_space<vmem>>[vector<16xi32>, vector<16xi32>], vector<16xf32>,
            %add3A_609 = vector.broadcast %add3A_566 : i32 to vector<16xi32>
            %add3A_610 = arith.addi %select_n3A_120, %add3A_609 : vector<16xi32>
            %gather3A_611 = arith.constant 0 : i32
            %gather3A_612 = arith.constant 0 : i32
            %gather3A_613 = tpu.memref_slice %arg6[%scan3A_528, %gather3A_611, %gather3A_612] : memref<3x128x128xf32, #tpu.memory_space<vmem>> -> memref<1x128x128xf32, #tpu.memory_space<vmem>>
            %gather3A_614 = tpu.memref_squeeze %gather3A_613 : memref<1x128x128xf32, #tpu.memory_space<vmem>> -> memref<128x128xf32, #tpu.memory_space<vmem>>
            %gather3A_615 = tpu.vector_load_idx %gather3A_614[%add3A_556, %add3A_610] : memref<128x128xf32, #tpu.memory_space<vmem>>[vector<16xi32>, vector<16xi32>], vector<16xf32>,
            %scatter3A_616 = arith.constant 0 : i32
            %scatter3A_617 = arith.constant 0 : i32
            %scatter3A_618 = tpu.memref_slice %arg7[%scan3A_529, %scatter3A_616, %scatter3A_617] : memref<3x64x128xf32, #tpu.memory_space<vmem>> -> memref<1x64x128xf32, #tpu.memory_space<vmem>>
            %scatter3A_619 = tpu.memref_squeeze %scatter3A_618 : memref<1x64x128xf32, #tpu.memory_space<vmem>> -> memref<64x128xf32, #tpu.memory_space<vmem>>
            tpu.vector_store_idx %scatter3A_619[%add3A_610, %add3A_556], %gather3A_615 : memref<64x128xf32, #tpu.memory_space<vmem>>[vector<16xi32>, vector<16xi32>], vector<16xf32>,
            %add3A_620 = vector.broadcast %add3A_566 : i32 to vector<16xi32>
            %add3A_621 = arith.addi %select_n3A_145, %add3A_620 : vector<16xi32>
            %gather3A_622 = arith.constant 0 : i32
            %gather3A_623 = arith.constant 0 : i32
            %gather3A_624 = tpu.memref_slice %arg6[%scan3A_528, %gather3A_622, %gather3A_623] : memref<3x128x128xf32, #tpu.memory_space<vmem>> -> memref<1x128x128xf32, #tpu.memory_space<vmem>>
            %gather3A_625 = tpu.memref_squeeze %gather3A_624 : memref<1x128x128xf32, #tpu.memory_space<vmem>> -> memref<128x128xf32, #tpu.memory_space<vmem>>
            %gather3A_626 = tpu.vector_load_idx %gather3A_625[%add3A_556, %add3A_621] : memref<128x128xf32, #tpu.memory_space<vmem>>[vector<16xi32>, vector<16xi32>], vector<16xf32>,
            %scatter3A_627 = arith.constant 0 : i32
            %scatter3A_628 = arith.constant 0 : i32
            %scatter3A_629 = tpu.memref_slice %arg7[%scan3A_529, %scatter3A_627, %scatter3A_628] : memref<3x64x128xf32, #tpu.memory_space<vmem>> -> memref<1x64x128xf32, #tpu.memory_space<vmem>>
            %scatter3A_630 = tpu.memref_squeeze %scatter3A_629 : memref<1x64x128xf32, #tpu.memory_space<vmem>> -> memref<64x128xf32, #tpu.memory_space<vmem>>
            tpu.vector_store_idx %scatter3A_630[%add3A_621, %add3A_556], %gather3A_626 : memref<64x128xf32, #tpu.memory_space<vmem>>[vector<16xi32>, vector<16xi32>], vector<16xf32>,
            %add3A_631 = vector.broadcast %add3A_566 : i32 to vector<16xi32>
            %add3A_632 = arith.addi %select_n3A_170, %add3A_631 : vector<16xi32>
            %gather3A_633 = arith.constant 0 : i32
            %gather3A_634 = arith.constant 0 : i32
            %gather3A_635 = tpu.memref_slice %arg6[%scan3A_528, %gather3A_633, %gather3A_634] : memref<3x128x128xf32, #tpu.memory_space<vmem>> -> memref<1x128x128xf32, #tpu.memory_space<vmem>>
            %gather3A_636 = tpu.memref_squeeze %gather3A_635 : memref<1x128x128xf32, #tpu.memory_space<vmem>> -> memref<128x128xf32, #tpu.memory_space<vmem>>
            %gather3A_637 = tpu.vector_load_idx %gather3A_636[%add3A_556, %add3A_632] : memref<128x128xf32, #tpu.memory_space<vmem>>[vector<16xi32>, vector<16xi32>], vector<16xf32>,
            %scatter3A_638 = arith.constant 0 : i32
            %scatter3A_639 = arith.constant 0 : i32
            %scatter3A_640 = tpu.memref_slice %arg7[%scan3A_529, %scatter3A_638, %scatter3A_639] : memref<3x64x128xf32, #tpu.memory_space<vmem>> -> memref<1x64x128xf32, #tpu.memory_space<vmem>>
            %scatter3A_641 = tpu.memref_squeeze %scatter3A_640 : memref<1x64x128xf32, #tpu.memory_space<vmem>> -> memref<64x128xf32, #tpu.memory_space<vmem>>
            tpu.vector_store_idx %scatter3A_641[%add3A_632, %add3A_556], %gather3A_637 : memref<64x128xf32, #tpu.memory_space<vmem>>[vector<16xi32>, vector<16xi32>], vector<16xf32>,
            %add3A_642 = vector.broadcast %add3A_566 : i32 to vector<16xi32>
            %add3A_643 = arith.addi %select_n3A_195, %add3A_642 : vector<16xi32>
            %gather3A_644 = arith.constant 0 : i32
            %gather3A_645 = arith.constant 0 : i32
            %gather3A_646 = tpu.memref_slice %arg6[%scan3A_528, %gather3A_644, %gather3A_645] : memref<3x128x128xf32, #tpu.memory_space<vmem>> -> memref<1x128x128xf32, #tpu.memory_space<vmem>>
            %gather3A_647 = tpu.memref_squeeze %gather3A_646 : memref<1x128x128xf32, #tpu.memory_space<vmem>> -> memref<128x128xf32, #tpu.memory_space<vmem>>
            %gather3A_648 = tpu.vector_load_idx %gather3A_647[%add3A_556, %add3A_643] : memref<128x128xf32, #tpu.memory_space<vmem>>[vector<16xi32>, vector<16xi32>], vector<16xf32>,
            %scatter3A_649 = arith.constant 0 : i32
            %scatter3A_650 = arith.constant 0 : i32
            %scatter3A_651 = tpu.memref_slice %arg7[%scan3A_529, %scatter3A_649, %scatter3A_650] : memref<3x64x128xf32, #tpu.memory_space<vmem>> -> memref<1x64x128xf32, #tpu.memory_space<vmem>>
            %scatter3A_652 = tpu.memref_squeeze %scatter3A_651 : memref<1x64x128xf32, #tpu.memory_space<vmem>> -> memref<64x128xf32, #tpu.memory_space<vmem>>
            tpu.vector_store_idx %scatter3A_652[%add3A_643, %add3A_556], %gather3A_648 : memref<64x128xf32, #tpu.memory_space<vmem>>[vector<16xi32>, vector<16xi32>], vector<16xf32>,
            %add3A_653 = vector.broadcast %add3A_566 : i32 to vector<16xi32>
            %add3A_654 = arith.addi %select_n3A_220, %add3A_653 : vector<16xi32>
            %gather3A_655 = arith.constant 0 : i32
            %gather3A_656 = arith.constant 0 : i32
            %gather3A_657 = tpu.memref_slice %arg6[%scan3A_528, %gather3A_655, %gather3A_656] : memref<3x128x128xf32, #tpu.memory_space<vmem>> -> memref<1x128x128xf32, #tpu.memory_space<vmem>>
            %gather3A_658 = tpu.memref_squeeze %gather3A_657 : memref<1x128x128xf32, #tpu.memory_space<vmem>> -> memref<128x128xf32, #tpu.memory_space<vmem>>
            %gather3A_659 = tpu.vector_load_idx %gather3A_658[%add3A_556, %add3A_654] : memref<128x128xf32, #tpu.memory_space<vmem>>[vector<16xi32>, vector<16xi32>], vector<16xf32>,
            %scatter3A_660 = arith.constant 0 : i32
            %scatter3A_661 = arith.constant 0 : i32
            %scatter3A_662 = tpu.memref_slice %arg7[%scan3A_529, %scatter3A_660, %scatter3A_661] : memref<3x64x128xf32, #tpu.memory_space<vmem>> -> memref<1x64x128xf32, #tpu.memory_space<vmem>>
            %scatter3A_663 = tpu.memref_squeeze %scatter3A_662 : memref<1x64x128xf32, #tpu.memory_space<vmem>> -> memref<64x128xf32, #tpu.memory_space<vmem>>
            tpu.vector_store_idx %scatter3A_663[%add3A_654, %add3A_556], %gather3A_659 : memref<64x128xf32, #tpu.memory_space<vmem>>[vector<16xi32>, vector<16xi32>], vector<16xf32>,
            %add3A_664 = vector.broadcast %add3A_566 : i32 to vector<16xi32>
            %add3A_665 = arith.addi %select_n3A_245, %add3A_664 : vector<16xi32>
            %gather3A_666 = arith.constant 0 : i32
            %gather3A_667 = arith.constant 0 : i32
            %gather3A_668 = tpu.memref_slice %arg6[%scan3A_528, %gather3A_666, %gather3A_667] : memref<3x128x128xf32, #tpu.memory_space<vmem>> -> memref<1x128x128xf32, #tpu.memory_space<vmem>>
            %gather3A_669 = tpu.memref_squeeze %gather3A_668 : memref<1x128x128xf32, #tpu.memory_space<vmem>> -> memref<128x128xf32, #tpu.memory_space<vmem>>
            %gather3A_670 = tpu.vector_load_idx %gather3A_669[%add3A_556, %add3A_665] : memref<128x128xf32, #tpu.memory_space<vmem>>[vector<16xi32>, vector<16xi32>], vector<16xf32>,
            %scatter3A_671 = arith.constant 0 : i32
            %scatter3A_672 = arith.constant 0 : i32
            %scatter3A_673 = tpu.memref_slice %arg7[%scan3A_529, %scatter3A_671, %scatter3A_672] : memref<3x64x128xf32, #tpu.memory_space<vmem>> -> memref<1x64x128xf32, #tpu.memory_space<vmem>>
            %scatter3A_674 = tpu.memref_squeeze %scatter3A_673 : memref<1x64x128xf32, #tpu.memory_space<vmem>> -> memref<64x128xf32, #tpu.memory_space<vmem>>
            tpu.vector_store_idx %scatter3A_674[%add3A_665, %add3A_556], %gather3A_670 : memref<64x128xf32, #tpu.memory_space<vmem>>[vector<16xi32>, vector<16xi32>], vector<16xf32>,
            %add3A_675 = vector.broadcast %add3A_566 : i32 to vector<16xi32>
            %add3A_676 = arith.addi %select_n3A_270, %add3A_675 : vector<16xi32>
            %gather3A_677 = arith.constant 0 : i32
            %gather3A_678 = arith.constant 0 : i32
            %gather3A_679 = tpu.memref_slice %arg6[%scan3A_528, %gather3A_677, %gather3A_678] : memref<3x128x128xf32, #tpu.memory_space<vmem>> -> memref<1x128x128xf32, #tpu.memory_space<vmem>>
            %gather3A_680 = tpu.memref_squeeze %gather3A_679 : memref<1x128x128xf32, #tpu.memory_space<vmem>> -> memref<128x128xf32, #tpu.memory_space<vmem>>
            %gather3A_681 = tpu.vector_load_idx %gather3A_680[%add3A_556, %add3A_676] : memref<128x128xf32, #tpu.memory_space<vmem>>[vector<16xi32>, vector<16xi32>], vector<16xf32>,
            %scatter3A_682 = arith.constant 0 : i32
            %scatter3A_683 = arith.constant 0 : i32
            %scatter3A_684 = tpu.memref_slice %arg7[%scan3A_529, %scatter3A_682, %scatter3A_683] : memref<3x64x128xf32, #tpu.memory_space<vmem>> -> memref<1x64x128xf32, #tpu.memory_space<vmem>>
            %scatter3A_685 = tpu.memref_squeeze %scatter3A_684 : memref<1x64x128xf32, #tpu.memory_space<vmem>> -> memref<64x128xf32, #tpu.memory_space<vmem>>
            tpu.vector_store_idx %scatter3A_685[%add3A_676, %add3A_556], %gather3A_681 : memref<64x128xf32, #tpu.memory_space<vmem>>[vector<16xi32>, vector<16xi32>], vector<16xf32>,
            %add3A_686 = vector.broadcast %add3A_566 : i32 to vector<16xi32>
            %add3A_687 = arith.addi %select_n3A_295, %add3A_686 : vector<16xi32>
            %gather3A_688 = arith.constant 0 : i32
            %gather3A_689 = arith.constant 0 : i32
            %gather3A_690 = tpu.memref_slice %arg6[%scan3A_528, %gather3A_688, %gather3A_689] : memref<3x128x128xf32, #tpu.memory_space<vmem>> -> memref<1x128x128xf32, #tpu.memory_space<vmem>>
            %gather3A_691 = tpu.memref_squeeze %gather3A_690 : memref<1x128x128xf32, #tpu.memory_space<vmem>> -> memref<128x128xf32, #tpu.memory_space<vmem>>
            %gather3A_692 = tpu.vector_load_idx %gather3A_691[%add3A_556, %add3A_687] : memref<128x128xf32, #tpu.memory_space<vmem>>[vector<16xi32>, vector<16xi32>], vector<16xf32>,
            %scatter3A_693 = arith.constant 0 : i32
            %scatter3A_694 = arith.constant 0 : i32
            %scatter3A_695 = tpu.memref_slice %arg7[%scan3A_529, %scatter3A_693, %scatter3A_694] : memref<3x64x128xf32, #tpu.memory_space<vmem>> -> memref<1x64x128xf32, #tpu.memory_space<vmem>>
            %scatter3A_696 = tpu.memref_squeeze %scatter3A_695 : memref<1x64x128xf32, #tpu.memory_space<vmem>> -> memref<64x128xf32, #tpu.memory_space<vmem>>
            tpu.vector_store_idx %scatter3A_696[%add3A_687, %add3A_556], %gather3A_692 : memref<64x128xf32, #tpu.memory_space<vmem>>[vector<16xi32>, vector<16xi32>], vector<16xf32>,
            %add3A_697 = vector.broadcast %add3A_566 : i32 to vector<16xi32>
            %add3A_698 = arith.addi %select_n3A_320, %add3A_697 : vector<16xi32>
            %gather3A_699 = arith.constant 0 : i32
            %gather3A_700 = arith.constant 0 : i32
            %gather3A_701 = tpu.memref_slice %arg6[%scan3A_528, %gather3A_699, %gather3A_700] : memref<3x128x128xf32, #tpu.memory_space<vmem>> -> memref<1x128x128xf32, #tpu.memory_space<vmem>>
            %gather3A_702 = tpu.memref_squeeze %gather3A_701 : memref<1x128x128xf32, #tpu.memory_space<vmem>> -> memref<128x128xf32, #tpu.memory_space<vmem>>
            %gather3A_703 = tpu.vector_load_idx %gather3A_702[%add3A_556, %add3A_698] : memref<128x128xf32, #tpu.memory_space<vmem>>[vector<16xi32>, vector<16xi32>], vector<16xf32>,
            %scatter3A_704 = arith.constant 0 : i32
            %scatter3A_705 = arith.constant 0 : i32
            %scatter3A_706 = tpu.memref_slice %arg7[%scan3A_529, %scatter3A_704, %scatter3A_705] : memref<3x64x128xf32, #tpu.memory_space<vmem>> -> memref<1x64x128xf32, #tpu.memory_space<vmem>>
            %scatter3A_707 = tpu.memref_squeeze %scatter3A_706 : memref<1x64x128xf32, #tpu.memory_space<vmem>> -> memref<64x128xf32, #tpu.memory_space<vmem>>
            tpu.vector_store_idx %scatter3A_707[%add3A_698, %add3A_556], %gather3A_703 : memref<64x128xf32, #tpu.memory_space<vmem>>[vector<16xi32>, vector<16xi32>], vector<16xf32>,
            %add3A_708 = vector.broadcast %add3A_566 : i32 to vector<16xi32>
            %add3A_709 = arith.addi %select_n3A_345, %add3A_708 : vector<16xi32>
            %gather3A_710 = arith.constant 0 : i32
            %gather3A_711 = arith.constant 0 : i32
            %gather3A_712 = tpu.memref_slice %arg6[%scan3A_528, %gather3A_710, %gather3A_711] : memref<3x128x128xf32, #tpu.memory_space<vmem>> -> memref<1x128x128xf32, #tpu.memory_space<vmem>>
            %gather3A_713 = tpu.memref_squeeze %gather3A_712 : memref<1x128x128xf32, #tpu.memory_space<vmem>> -> memref<128x128xf32, #tpu.memory_space<vmem>>
            %gather3A_714 = tpu.vector_load_idx %gather3A_713[%add3A_556, %add3A_709] : memref<128x128xf32, #tpu.memory_space<vmem>>[vector<16xi32>, vector<16xi32>], vector<16xf32>,
            %scatter3A_715 = arith.constant 0 : i32
            %scatter3A_716 = arith.constant 0 : i32
            %scatter3A_717 = tpu.memref_slice %arg7[%scan3A_529, %scatter3A_715, %scatter3A_716] : memref<3x64x128xf32, #tpu.memory_space<vmem>> -> memref<1x64x128xf32, #tpu.memory_space<vmem>>
            %scatter3A_718 = tpu.memref_squeeze %scatter3A_717 : memref<1x64x128xf32, #tpu.memory_space<vmem>> -> memref<64x128xf32, #tpu.memory_space<vmem>>
            tpu.vector_store_idx %scatter3A_718[%add3A_709, %add3A_556], %gather3A_714 : memref<64x128xf32, #tpu.memory_space<vmem>>[vector<16xi32>, vector<16xi32>], vector<16xf32>,
            %add3A_719 = vector.broadcast %add3A_566 : i32 to vector<16xi32>
            %add3A_720 = arith.addi %select_n3A_370, %add3A_719 : vector<16xi32>
            %gather3A_721 = arith.constant 0 : i32
            %gather3A_722 = arith.constant 0 : i32
            %gather3A_723 = tpu.memref_slice %arg6[%scan3A_528, %gather3A_721, %gather3A_722] : memref<3x128x128xf32, #tpu.memory_space<vmem>> -> memref<1x128x128xf32, #tpu.memory_space<vmem>>
            %gather3A_724 = tpu.memref_squeeze %gather3A_723 : memref<1x128x128xf32, #tpu.memory_space<vmem>> -> memref<128x128xf32, #tpu.memory_space<vmem>>
            %gather3A_725 = tpu.vector_load_idx %gather3A_724[%add3A_556, %add3A_720] : memref<128x128xf32, #tpu.memory_space<vmem>>[vector<16xi32>, vector<16xi32>], vector<16xf32>,
            %scatter3A_726 = arith.constant 0 : i32
            %scatter3A_727 = arith.constant 0 : i32
            %scatter3A_728 = tpu.memref_slice %arg7[%scan3A_529, %scatter3A_726, %scatter3A_727] : memref<3x64x128xf32, #tpu.memory_space<vmem>> -> memref<1x64x128xf32, #tpu.memory_space<vmem>>
            %scatter3A_729 = tpu.memref_squeeze %scatter3A_728 : memref<1x64x128xf32, #tpu.memory_space<vmem>> -> memref<64x128xf32, #tpu.memory_space<vmem>>
            tpu.vector_store_idx %scatter3A_729[%add3A_720, %add3A_556], %gather3A_725 : memref<64x128xf32, #tpu.memory_space<vmem>>[vector<16xi32>, vector<16xi32>], vector<16xf32>,
            %add3A_730 = vector.broadcast %add3A_566 : i32 to vector<16xi32>
            %add3A_731 = arith.addi %select_n3A_395, %add3A_730 : vector<16xi32>
            %gather3A_732 = arith.constant 0 : i32
            %gather3A_733 = arith.constant 0 : i32
            %gather3A_734 = tpu.memref_slice %arg6[%scan3A_528, %gather3A_732, %gather3A_733] : memref<3x128x128xf32, #tpu.memory_space<vmem>> -> memref<1x128x128xf32, #tpu.memory_space<vmem>>
            %gather3A_735 = tpu.memref_squeeze %gather3A_734 : memref<1x128x128xf32, #tpu.memory_space<vmem>> -> memref<128x128xf32, #tpu.memory_space<vmem>>
            %gather3A_736 = tpu.vector_load_idx %gather3A_735[%add3A_556, %add3A_731] : memref<128x128xf32, #tpu.memory_space<vmem>>[vector<16xi32>, vector<16xi32>], vector<16xf32>,
            %scatter3A_737 = arith.constant 0 : i32
            %scatter3A_738 = arith.constant 0 : i32
            %scatter3A_739 = tpu.memref_slice %arg7[%scan3A_529, %scatter3A_737, %scatter3A_738] : memref<3x64x128xf32, #tpu.memory_space<vmem>> -> memref<1x64x128xf32, #tpu.memory_space<vmem>>
            %scatter3A_740 = tpu.memref_squeeze %scatter3A_739 : memref<1x64x128xf32, #tpu.memory_space<vmem>> -> memref<64x128xf32, #tpu.memory_space<vmem>>
            tpu.vector_store_idx %scatter3A_740[%add3A_731, %add3A_556], %gather3A_736 : memref<64x128xf32, #tpu.memory_space<vmem>>[vector<16xi32>, vector<16xi32>], vector<16xf32>,
          }
          %scan3A_561 = arith.constant 4 : i32
        }
        %scan3A_534 = arith.constant 8 : i32
        %dma_start3A_535 = arith.constant 0 : i32
        %dma_start3A_536 = arith.constant 0 : i32
        %dma_start3A_537 = arith.constant 0 : i32
        %dma_start3A_538 = tpu.memref_slice %arg7[%dma_start3A_535, %dma_start3A_536, %dma_start3A_537] : memref<3x64x128xf32, #tpu.memory_space<vmem>> -> memref<1x64x128xf32, #tpu.memory_space<vmem>>
        %dma_start3A_539 = tpu.memref_squeeze %dma_start3A_538 : memref<1x64x128xf32, #tpu.memory_space<vmem>> -> memref<64x128xf32, #tpu.memory_space<vmem>>
        %dma_start3A_540 = arith.constant 0 : i32
        %dma_start3A_541 = tpu.memref_slice %arg4[%add3A_444, %dma_start3A_540, %mul3A_2] : memref<50x64x4096xf32, #tpu.memory_space<hbm>> -> memref<1x64x128xf32, #tpu.memory_space<hbm>>
        %dma_start3A_542 = tpu.memref_squeeze %dma_start3A_541 : memref<1x64x128xf32, #tpu.memory_space<hbm>> -> memref<64x128xf32, #tpu.memory_space<hbm>>
        %dma_start3A_543 = arith.constant 0 : i32
        %dma_start3A_544 = tpu.memref_slice %arg4[%add3A_444, %dma_start3A_543, %mul3A_2] : memref<50x64x4096xf32, #tpu.memory_space<hbm>> -> memref<1x64x128xf32, #tpu.memory_space<hbm>>
        %dma_start3A_545 = tpu.memref_squeeze %dma_start3A_544 : memref<1x64x128xf32, #tpu.memory_space<hbm>> -> memref<64x128xf32, #tpu.memory_space<hbm>>
        %dma_start3A_546 = arith.constant 0 : i32
        %dma_start3A_547 = arith.constant 0 : i32
        %dma_start3A_548 = tpu.memref_slice %arg7[%dma_start3A_535, %dma_start3A_546, %dma_start3A_547] : memref<3x64x128xf32, #tpu.memory_space<vmem>> -> memref<1x64x128xf32, #tpu.memory_space<vmem>>
        %dma_start3A_549 = tpu.memref_squeeze %dma_start3A_548 : memref<1x64x128xf32, #tpu.memory_space<vmem>> -> memref<64x128xf32, #tpu.memory_space<vmem>>
        tpu.enqueue_dma source(%dma_start3A_549 : memref<64x128xf32, #tpu.memory_space<vmem>>) target(%dma_start3A_545 : memref<64x128xf32, #tpu.memory_space<hbm>>) target_semaphore(%arg11 : memref<!tpu.dma_semaphore, #tpu.memory_space<semaphore_mem>>)
      } else {
      }
      %add3A_465 = arith.constant 1 : i32
      %add3A_466 = arith.addi %add3A_442, %add3A_465 : i32
      %sub3A_467 = arith.constant 2 : i32
      %sub3A_468 = arith.subi %add3A_466, %sub3A_467 : i32
      %ge3A_469 = arith.constant 0 : i32
      %ge3A_470 = arith.cmpi sge, %sub3A_468, %ge3A_469 : i32
      %sub3A_471 = arith.constant 2 : i32
      %sub3A_472 = arith.subi %add3A_466, %sub3A_471 : i32
      %lt3A_473 = arith.constant 50 : i32
      %lt3A_474 = arith.cmpi slt, %sub3A_472, %lt3A_473 : i32
      %and3A_475 = arith.andi %ge3A_470, %lt3A_474 : i1
      %convert_element_type3A_476 = arith.extui %and3A_475 : i1 to i32
      %cond3A_477 = arith.constant 0 : i32
      %cond3A_478 = arith.cmpi ne, %convert_element_type3A_476, %cond3A_477 : i32
      scf.if %cond3A_478 {
        %sub3A_517 = arith.constant 2 : i32
        %sub3A_518 = arith.subi %add3A_466, %sub3A_517 : i32
        %dma_wait3A_519 = arith.constant 2 : i32
        %dma_wait3A_520 = arith.constant 0 : i32
        %dma_wait3A_521 = arith.constant 0 : i32
        %dma_wait3A_522 = tpu.memref_slice %arg7[%dma_wait3A_519, %dma_wait3A_520, %dma_wait3A_521] : memref<3x64x128xf32, #tpu.memory_space<vmem>> -> memref<1x64x128xf32, #tpu.memory_space<vmem>>
        %dma_wait3A_523 = tpu.memref_squeeze %dma_wait3A_522 : memref<1x64x128xf32, #tpu.memory_space<vmem>> -> memref<64x128xf32, #tpu.memory_space<vmem>>
        %dma_wait3A_524 = arith.constant 0 : i32
        %dma_wait3A_525 = tpu.memref_slice %arg4[%sub3A_518, %dma_wait3A_524, %mul3A_2] : memref<50x64x4096xf32, #tpu.memory_space<hbm>> -> memref<1x64x128xf32, #tpu.memory_space<hbm>>
        %dma_wait3A_526 = tpu.memref_squeeze %dma_wait3A_525 : memref<1x64x128xf32, #tpu.memory_space<hbm>> -> memref<64x128xf32, #tpu.memory_space<hbm>>
        %dma_wait3A_527 = arith.constant 0 : i32
        %dma_wait3A_528 = tpu.memref_slice %arg4[%sub3A_518, %dma_wait3A_527, %mul3A_2] : memref<50x64x4096xf32, #tpu.memory_space<hbm>> -> memref<1x64x128xf32, #tpu.memory_space<hbm>>
        %dma_wait3A_529 = tpu.memref_squeeze %dma_wait3A_528 : memref<1x64x128xf32, #tpu.memory_space<hbm>> -> memref<64x128xf32, #tpu.memory_space<hbm>>
        %dma_wait3A_530 = arith.constant 0 : i32
        %dma_wait3A_531 = arith.constant 0 : i32
        %dma_wait3A_532 = tpu.memref_slice %arg7[%dma_wait3A_519, %dma_wait3A_530, %dma_wait3A_531] : memref<3x64x128xf32, #tpu.memory_space<vmem>> -> memref<1x64x128xf32, #tpu.memory_space<vmem>>
        %dma_wait3A_533 = tpu.memref_squeeze %dma_wait3A_532 : memref<1x64x128xf32, #tpu.memory_space<vmem>> -> memref<64x128xf32, #tpu.memory_space<vmem>>
        tpu.wait_dma2 semaphore(%arg13 : memref<!tpu.dma_semaphore, #tpu.memory_space<semaphore_mem>>) src(%dma_wait3A_533 : memref<64x128xf32, #tpu.memory_space<vmem>>) dst(%dma_wait3A_529 : memref<64x128xf32, #tpu.memory_space<hbm>>)
      } else {
      }
      %add3A_479 = arith.constant 2 : i32
      %add3A_480 = arith.addi %add3A_466, %add3A_479 : i32
      %lt3A_481 = arith.constant 50 : i32
      %lt3A_482 = arith.cmpi slt, %add3A_480, %lt3A_481 : i32
      %convert_element_type3A_483 = arith.extui %lt3A_482 : i1 to i32
      %cond3A_484 = arith.constant 0 : i32
      %cond3A_485 = arith.cmpi ne, %convert_element_type3A_483, %cond3A_484 : i32
      scf.if %cond3A_485 {
        %add3A_517 = arith.constant 2 : i32
        %add3A_518 = arith.addi %add3A_466, %add3A_517 : i32
        %dma_start3A_519 = arith.constant 0 : i32
        %dma_start3A_520 = arith.constant 0 : i32
        %dma_start3A_521 = arith.constant 0 : i32
        %dma_start3A_522 = tpu.memref_slice %arg6[%dma_start3A_519, %dma_start3A_520, %dma_start3A_521] : memref<3x128x128xf32, #tpu.memory_space<vmem>> -> memref<1x128x128xf32, #tpu.memory_space<vmem>>
        %dma_start3A_523 = tpu.memref_squeeze %dma_start3A_522 : memref<1x128x128xf32, #tpu.memory_space<vmem>> -> memref<128x128xf32, #tpu.memory_space<vmem>>
        %dma_start3A_524 = arith.constant 0 : i32
        %dma_start3A_525 = tpu.memref_slice %arg5[%add3A_518, %dma_start3A_524] : memref<50x128xi32, #tpu.memory_space<vmem>> -> memref<1x128xi32, #tpu.memory_space<vmem>>
        %dma_start3A_526 = tpu.memref_squeeze %dma_start3A_525 : memref<1x128xi32, #tpu.memory_space<vmem>> -> memref<128xi32, #tpu.memory_space<vmem>>
        %dma_start3A_527 = arith.constant 0 : i32
        %dma_start3A_528 = arith.constant 0 : i32
        %dma_start3A_529 = tpu.memref_slice %arg3[%dma_start3A_527, %dma_start3A_528] : memref<1000000x128xf32, #tpu.memory_space<hbm>> -> memref<1000000x128xf32, #tpu.memory_space<hbm>>
        tpu.enqueue_indirect_dma source(%dma_start3A_529 : memref<1000000x128xf32, #tpu.memory_space<hbm>>) target(%dma_start3A_523 : memref<128x128xf32, #tpu.memory_space<vmem>>) offsets(%dma_start3A_526 : memref<128xi32, #tpu.memory_space<vmem>>) semaphore(%arg8 : memref<!tpu.dma_semaphore, #tpu.memory_space<semaphore_mem>>)
      } else {
      }
      %lt3A_486 = arith.constant 50 : i32
      %lt3A_487 = arith.cmpi slt, %add3A_466, %lt3A_486 : i32
      %convert_element_type3A_488 = arith.extui %lt3A_487 : i1 to i32
      %cond3A_489 = arith.constant 0 : i32
      %cond3A_490 = arith.cmpi ne, %convert_element_type3A_488, %cond3A_489 : i32
      scf.if %cond3A_490 {
        %dma_wait3A_517 = arith.constant 1 : i32
        %dma_wait3A_518 = arith.constant 0 : i32
        %dma_wait3A_519 = arith.constant 0 : i32
        %dma_wait3A_520 = tpu.memref_slice %arg6[%dma_wait3A_517, %dma_wait3A_518, %dma_wait3A_519] : memref<3x128x128xf32, #tpu.memory_space<vmem>> -> memref<1x128x128xf32, #tpu.memory_space<vmem>>
        %dma_wait3A_521 = tpu.memref_squeeze %dma_wait3A_520 : memref<1x128x128xf32, #tpu.memory_space<vmem>> -> memref<128x128xf32, #tpu.memory_space<vmem>>
        %dma_wait3A_522 = arith.constant 0 : i32
        %dma_wait3A_523 = tpu.memref_slice %arg5[%add3A_466, %dma_wait3A_522] : memref<50x128xi32, #tpu.memory_space<vmem>> -> memref<1x128xi32, #tpu.memory_space<vmem>>
        %dma_wait3A_524 = tpu.memref_squeeze %dma_wait3A_523 : memref<1x128xi32, #tpu.memory_space<vmem>> -> memref<128xi32, #tpu.memory_space<vmem>>
        %dma_wait3A_525 = arith.constant 0 : i32
        %dma_wait3A_526 = arith.constant 0 : i32
        %dma_wait3A_527 = tpu.memref_slice %arg3[%dma_wait3A_525, %dma_wait3A_526] : memref<1000000x128xf32, #tpu.memory_space<hbm>> -> memref<1000000x128xf32, #tpu.memory_space<hbm>>
        tpu.wait_indirect_dma semaphore(%arg9 : memref<!tpu.dma_semaphore, #tpu.memory_space<semaphore_mem>>) src(%dma_wait3A_527 : memref<1000000x128xf32, #tpu.memory_space<hbm>>) dst(%dma_wait3A_521 : memref<128x128xf32, #tpu.memory_space<vmem>>)
        %scan3A_528 = arith.constant 1 : i32
        %scan3A_529 = arith.constant 1 : i32
        %scan3A_530 = arith.constant 0 : i32
        %scan3A_531 = arith.constant 8 : i32
        %scan3A_532 = arith.addi %scan3A_530, %scan3A_531 : i32
        %scan3A_533 = arith.constant 1 : i32
        scf.for %scan3A_550 = %scan3A_530 to %scan3A_532 step %scan3A_533  : i32 {
          %mul3A_551 = arith.constant 16 : i32
          %mul3A_552 = arith.muli %scan3A_550, %mul3A_551 : i32
          %add3A_553 = arith.constant 0 : i32
          %add3A_554 = arith.addi %add3A_553, %mul3A_552 : i32
          %add3A_555 = vector.broadcast %add3A_554 : i32 to vector<16xi32>
          %add3A_556 = arith.addi %iota3A, %add3A_555 : vector<16xi32>
          %scan3A_557 = arith.constant 0 : i32
          %scan3A_558 = arith.constant 4 : i32
          %scan3A_559 = arith.addi %scan3A_557, %scan3A_558 : i32
          %scan3A_560 = arith.constant 1 : i32
          scf.for %scan3A_562 = %scan3A_557 to %scan3A_559 step %scan3A_560  : i32 {
            %mul3A_563 = arith.constant 16 : i32
            %mul3A_564 = arith.muli %scan3A_562, %mul3A_563 : i32
            %add3A_565 = arith.constant 0 : i32
            %add3A_566 = arith.addi %add3A_565, %mul3A_564 : i32
            %add3A_567 = vector.broadcast %add3A_566 : i32 to vector<16xi32>
            %add3A_568 = arith.addi %select_n3A_20, %add3A_567 : vector<16xi32>
            %gather3A = arith.constant 0 : i32
            %gather3A_569 = arith.constant 0 : i32
            %gather3A_570 = tpu.memref_slice %arg6[%scan3A_528, %gather3A, %gather3A_569] : memref<3x128x128xf32, #tpu.memory_space<vmem>> -> memref<1x128x128xf32, #tpu.memory_space<vmem>>
            %gather3A_571 = tpu.memref_squeeze %gather3A_570 : memref<1x128x128xf32, #tpu.memory_space<vmem>> -> memref<128x128xf32, #tpu.memory_space<vmem>>
            %gather3A_572 = tpu.vector_load_idx %gather3A_571[%add3A_556, %add3A_568] : memref<128x128xf32, #tpu.memory_space<vmem>>[vector<16xi32>, vector<16xi32>], vector<16xf32>,
            %scatter3A = arith.constant 0 : i32
            %scatter3A_573 = arith.constant 0 : i32
            %scatter3A_574 = tpu.memref_slice %arg7[%scan3A_529, %scatter3A, %scatter3A_573] : memref<3x64x128xf32, #tpu.memory_space<vmem>> -> memref<1x64x128xf32, #tpu.memory_space<vmem>>
            %scatter3A_575 = tpu.memref_squeeze %scatter3A_574 : memref<1x64x128xf32, #tpu.memory_space<vmem>> -> memref<64x128xf32, #tpu.memory_space<vmem>>
            tpu.vector_store_idx %scatter3A_575[%add3A_568, %add3A_556], %gather3A_572 : memref<64x128xf32, #tpu.memory_space<vmem>>[vector<16xi32>, vector<16xi32>], vector<16xf32>,
            %add3A_576 = vector.broadcast %add3A_566 : i32 to vector<16xi32>
            %add3A_577 = arith.addi %select_n3A_45, %add3A_576 : vector<16xi32>
            %gather3A_578 = arith.constant 0 : i32
            %gather3A_579 = arith.constant 0 : i32
            %gather3A_580 = tpu.memref_slice %arg6[%scan3A_528, %gather3A_578, %gather3A_579] : memref<3x128x128xf32, #tpu.memory_space<vmem>> -> memref<1x128x128xf32, #tpu.memory_space<vmem>>
            %gather3A_581 = tpu.memref_squeeze %gather3A_580 : memref<1x128x128xf32, #tpu.memory_space<vmem>> -> memref<128x128xf32, #tpu.memory_space<vmem>>
            %gather3A_582 = tpu.vector_load_idx %gather3A_581[%add3A_556, %add3A_577] : memref<128x128xf32, #tpu.memory_space<vmem>>[vector<16xi32>, vector<16xi32>], vector<16xf32>,
            %scatter3A_583 = arith.constant 0 : i32
            %scatter3A_584 = arith.constant 0 : i32
            %scatter3A_585 = tpu.memref_slice %arg7[%scan3A_529, %scatter3A_583, %scatter3A_584] : memref<3x64x128xf32, #tpu.memory_space<vmem>> -> memref<1x64x128xf32, #tpu.memory_space<vmem>>
            %scatter3A_586 = tpu.memref_squeeze %scatter3A_585 : memref<1x64x128xf32, #tpu.memory_space<vmem>> -> memref<64x128xf32, #tpu.memory_space<vmem>>
            tpu.vector_store_idx %scatter3A_586[%add3A_577, %add3A_556], %gather3A_582 : memref<64x128xf32, #tpu.memory_space<vmem>>[vector<16xi32>, vector<16xi32>], vector<16xf32>,
            %add3A_587 = vector.broadcast %add3A_566 : i32 to vector<16xi32>
            %add3A_588 = arith.addi %select_n3A_70, %add3A_587 : vector<16xi32>
            %gather3A_589 = arith.constant 0 : i32
            %gather3A_590 = arith.constant 0 : i32
            %gather3A_591 = tpu.memref_slice %arg6[%scan3A_528, %gather3A_589, %gather3A_590] : memref<3x128x128xf32, #tpu.memory_space<vmem>> -> memref<1x128x128xf32, #tpu.memory_space<vmem>>
            %gather3A_592 = tpu.memref_squeeze %gather3A_591 : memref<1x128x128xf32, #tpu.memory_space<vmem>> -> memref<128x128xf32, #tpu.memory_space<vmem>>
            %gather3A_593 = tpu.vector_load_idx %gather3A_592[%add3A_556, %add3A_588] : memref<128x128xf32, #tpu.memory_space<vmem>>[vector<16xi32>, vector<16xi32>], vector<16xf32>,
            %scatter3A_594 = arith.constant 0 : i32
            %scatter3A_595 = arith.constant 0 : i32
            %scatter3A_596 = tpu.memref_slice %arg7[%scan3A_529, %scatter3A_594, %scatter3A_595] : memref<3x64x128xf32, #tpu.memory_space<vmem>> -> memref<1x64x128xf32, #tpu.memory_space<vmem>>
            %scatter3A_597 = tpu.memref_squeeze %scatter3A_596 : memref<1x64x128xf32, #tpu.memory_space<vmem>> -> memref<64x128xf32, #tpu.memory_space<vmem>>
            tpu.vector_store_idx %scatter3A_597[%add3A_588, %add3A_556], %gather3A_593 : memref<64x128xf32, #tpu.memory_space<vmem>>[vector<16xi32>, vector<16xi32>], vector<16xf32>,
            %add3A_598 = vector.broadcast %add3A_566 : i32 to vector<16xi32>
            %add3A_599 = arith.addi %select_n3A_95, %add3A_598 : vector<16xi32>
            %gather3A_600 = arith.constant 0 : i32
            %gather3A_601 = arith.constant 0 : i32
            %gather3A_602 = tpu.memref_slice %arg6[%scan3A_528, %gather3A_600, %gather3A_601] : memref<3x128x128xf32, #tpu.memory_space<vmem>> -> memref<1x128x128xf32, #tpu.memory_space<vmem>>
            %gather3A_603 = tpu.memref_squeeze %gather3A_602 : memref<1x128x128xf32, #tpu.memory_space<vmem>> -> memref<128x128xf32, #tpu.memory_space<vmem>>
            %gather3A_604 = tpu.vector_load_idx %gather3A_603[%add3A_556, %add3A_599] : memref<128x128xf32, #tpu.memory_space<vmem>>[vector<16xi32>, vector<16xi32>], vector<16xf32>,
            %scatter3A_605 = arith.constant 0 : i32
            %scatter3A_606 = arith.constant 0 : i32
            %scatter3A_607 = tpu.memref_slice %arg7[%scan3A_529, %scatter3A_605, %scatter3A_606] : memref<3x64x128xf32, #tpu.memory_space<vmem>> -> memref<1x64x128xf32, #tpu.memory_space<vmem>>
            %scatter3A_608 = tpu.memref_squeeze %scatter3A_607 : memref<1x64x128xf32, #tpu.memory_space<vmem>> -> memref<64x128xf32, #tpu.memory_space<vmem>>
            tpu.vector_store_idx %scatter3A_608[%add3A_599, %add3A_556], %gather3A_604 : memref<64x128xf32, #tpu.memory_space<vmem>>[vector<16xi32>, vector<16xi32>], vector<16xf32>,
            %add3A_609 = vector.broadcast %add3A_566 : i32 to vector<16xi32>
            %add3A_610 = arith.addi %select_n3A_120, %add3A_609 : vector<16xi32>
            %gather3A_611 = arith.constant 0 : i32
            %gather3A_612 = arith.constant 0 : i32
            %gather3A_613 = tpu.memref_slice %arg6[%scan3A_528, %gather3A_611, %gather3A_612] : memref<3x128x128xf32, #tpu.memory_space<vmem>> -> memref<1x128x128xf32, #tpu.memory_space<vmem>>
            %gather3A_614 = tpu.memref_squeeze %gather3A_613 : memref<1x128x128xf32, #tpu.memory_space<vmem>> -> memref<128x128xf32, #tpu.memory_space<vmem>>
            %gather3A_615 = tpu.vector_load_idx %gather3A_614[%add3A_556, %add3A_610] : memref<128x128xf32, #tpu.memory_space<vmem>>[vector<16xi32>, vector<16xi32>], vector<16xf32>,
            %scatter3A_616 = arith.constant 0 : i32
            %scatter3A_617 = arith.constant 0 : i32
            %scatter3A_618 = tpu.memref_slice %arg7[%scan3A_529, %scatter3A_616, %scatter3A_617] : memref<3x64x128xf32, #tpu.memory_space<vmem>> -> memref<1x64x128xf32, #tpu.memory_space<vmem>>
            %scatter3A_619 = tpu.memref_squeeze %scatter3A_618 : memref<1x64x128xf32, #tpu.memory_space<vmem>> -> memref<64x128xf32, #tpu.memory_space<vmem>>
            tpu.vector_store_idx %scatter3A_619[%add3A_610, %add3A_556], %gather3A_615 : memref<64x128xf32, #tpu.memory_space<vmem>>[vector<16xi32>, vector<16xi32>], vector<16xf32>,
            %add3A_620 = vector.broadcast %add3A_566 : i32 to vector<16xi32>
            %add3A_621 = arith.addi %select_n3A_145, %add3A_620 : vector<16xi32>
            %gather3A_622 = arith.constant 0 : i32
            %gather3A_623 = arith.constant 0 : i32
            %gather3A_624 = tpu.memref_slice %arg6[%scan3A_528, %gather3A_622, %gather3A_623] : memref<3x128x128xf32, #tpu.memory_space<vmem>> -> memref<1x128x128xf32, #tpu.memory_space<vmem>>
            %gather3A_625 = tpu.memref_squeeze %gather3A_624 : memref<1x128x128xf32, #tpu.memory_space<vmem>> -> memref<128x128xf32, #tpu.memory_space<vmem>>
            %gather3A_626 = tpu.vector_load_idx %gather3A_625[%add3A_556, %add3A_621] : memref<128x128xf32, #tpu.memory_space<vmem>>[vector<16xi32>, vector<16xi32>], vector<16xf32>,
            %scatter3A_627 = arith.constant 0 : i32
            %scatter3A_628 = arith.constant 0 : i32
            %scatter3A_629 = tpu.memref_slice %arg7[%scan3A_529, %scatter3A_627, %scatter3A_628] : memref<3x64x128xf32, #tpu.memory_space<vmem>> -> memref<1x64x128xf32, #tpu.memory_space<vmem>>
            %scatter3A_630 = tpu.memref_squeeze %scatter3A_629 : memref<1x64x128xf32, #tpu.memory_space<vmem>> -> memref<64x128xf32, #tpu.memory_space<vmem>>
            tpu.vector_store_idx %scatter3A_630[%add3A_621, %add3A_556], %gather3A_626 : memref<64x128xf32, #tpu.memory_space<vmem>>[vector<16xi32>, vector<16xi32>], vector<16xf32>,
            %add3A_631 = vector.broadcast %add3A_566 : i32 to vector<16xi32>
            %add3A_632 = arith.addi %select_n3A_170, %add3A_631 : vector<16xi32>
            %gather3A_633 = arith.constant 0 : i32
            %gather3A_634 = arith.constant 0 : i32
            %gather3A_635 = tpu.memref_slice %arg6[%scan3A_528, %gather3A_633, %gather3A_634] : memref<3x128x128xf32, #tpu.memory_space<vmem>> -> memref<1x128x128xf32, #tpu.memory_space<vmem>>
            %gather3A_636 = tpu.memref_squeeze %gather3A_635 : memref<1x128x128xf32, #tpu.memory_space<vmem>> -> memref<128x128xf32, #tpu.memory_space<vmem>>
            %gather3A_637 = tpu.vector_load_idx %gather3A_636[%add3A_556, %add3A_632] : memref<128x128xf32, #tpu.memory_space<vmem>>[vector<16xi32>, vector<16xi32>], vector<16xf32>,
            %scatter3A_638 = arith.constant 0 : i32
            %scatter3A_639 = arith.constant 0 : i32
            %scatter3A_640 = tpu.memref_slice %arg7[%scan3A_529, %scatter3A_638, %scatter3A_639] : memref<3x64x128xf32, #tpu.memory_space<vmem>> -> memref<1x64x128xf32, #tpu.memory_space<vmem>>
            %scatter3A_641 = tpu.memref_squeeze %scatter3A_640 : memref<1x64x128xf32, #tpu.memory_space<vmem>> -> memref<64x128xf32, #tpu.memory_space<vmem>>
            tpu.vector_store_idx %scatter3A_641[%add3A_632, %add3A_556], %gather3A_637 : memref<64x128xf32, #tpu.memory_space<vmem>>[vector<16xi32>, vector<16xi32>], vector<16xf32>,
            %add3A_642 = vector.broadcast %add3A_566 : i32 to vector<16xi32>
            %add3A_643 = arith.addi %select_n3A_195, %add3A_642 : vector<16xi32>
            %gather3A_644 = arith.constant 0 : i32
            %gather3A_645 = arith.constant 0 : i32
            %gather3A_646 = tpu.memref_slice %arg6[%scan3A_528, %gather3A_644, %gather3A_645] : memref<3x128x128xf32, #tpu.memory_space<vmem>> -> memref<1x128x128xf32, #tpu.memory_space<vmem>>
            %gather3A_647 = tpu.memref_squeeze %gather3A_646 : memref<1x128x128xf32, #tpu.memory_space<vmem>> -> memref<128x128xf32, #tpu.memory_space<vmem>>
            %gather3A_648 = tpu.vector_load_idx %gather3A_647[%add3A_556, %add3A_643] : memref<128x128xf32, #tpu.memory_space<vmem>>[vector<16xi32>, vector<16xi32>], vector<16xf32>,
            %scatter3A_649 = arith.constant 0 : i32
            %scatter3A_650 = arith.constant 0 : i32
            %scatter3A_651 = tpu.memref_slice %arg7[%scan3A_529, %scatter3A_649, %scatter3A_650] : memref<3x64x128xf32, #tpu.memory_space<vmem>> -> memref<1x64x128xf32, #tpu.memory_space<vmem>>
            %scatter3A_652 = tpu.memref_squeeze %scatter3A_651 : memref<1x64x128xf32, #tpu.memory_space<vmem>> -> memref<64x128xf32, #tpu.memory_space<vmem>>
            tpu.vector_store_idx %scatter3A_652[%add3A_643, %add3A_556], %gather3A_648 : memref<64x128xf32, #tpu.memory_space<vmem>>[vector<16xi32>, vector<16xi32>], vector<16xf32>,
            %add3A_653 = vector.broadcast %add3A_566 : i32 to vector<16xi32>
            %add3A_654 = arith.addi %select_n3A_220, %add3A_653 : vector<16xi32>
            %gather3A_655 = arith.constant 0 : i32
            %gather3A_656 = arith.constant 0 : i32
            %gather3A_657 = tpu.memref_slice %arg6[%scan3A_528, %gather3A_655, %gather3A_656] : memref<3x128x128xf32, #tpu.memory_space<vmem>> -> memref<1x128x128xf32, #tpu.memory_space<vmem>>
            %gather3A_658 = tpu.memref_squeeze %gather3A_657 : memref<1x128x128xf32, #tpu.memory_space<vmem>> -> memref<128x128xf32, #tpu.memory_space<vmem>>
            %gather3A_659 = tpu.vector_load_idx %gather3A_658[%add3A_556, %add3A_654] : memref<128x128xf32, #tpu.memory_space<vmem>>[vector<16xi32>, vector<16xi32>], vector<16xf32>,
            %scatter3A_660 = arith.constant 0 : i32
            %scatter3A_661 = arith.constant 0 : i32
            %scatter3A_662 = tpu.memref_slice %arg7[%scan3A_529, %scatter3A_660, %scatter3A_661] : memref<3x64x128xf32, #tpu.memory_space<vmem>> -> memref<1x64x128xf32, #tpu.memory_space<vmem>>
            %scatter3A_663 = tpu.memref_squeeze %scatter3A_662 : memref<1x64x128xf32, #tpu.memory_space<vmem>> -> memref<64x128xf32, #tpu.memory_space<vmem>>
            tpu.vector_store_idx %scatter3A_663[%add3A_654, %add3A_556], %gather3A_659 : memref<64x128xf32, #tpu.memory_space<vmem>>[vector<16xi32>, vector<16xi32>], vector<16xf32>,
            %add3A_664 = vector.broadcast %add3A_566 : i32 to vector<16xi32>
            %add3A_665 = arith.addi %select_n3A_245, %add3A_664 : vector<16xi32>
            %gather3A_666 = arith.constant 0 : i32
            %gather3A_667 = arith.constant 0 : i32
            %gather3A_668 = tpu.memref_slice %arg6[%scan3A_528, %gather3A_666, %gather3A_667] : memref<3x128x128xf32, #tpu.memory_space<vmem>> -> memref<1x128x128xf32, #tpu.memory_space<vmem>>
            %gather3A_669 = tpu.memref_squeeze %gather3A_668 : memref<1x128x128xf32, #tpu.memory_space<vmem>> -> memref<128x128xf32, #tpu.memory_space<vmem>>
            %gather3A_670 = tpu.vector_load_idx %gather3A_669[%add3A_556, %add3A_665] : memref<128x128xf32, #tpu.memory_space<vmem>>[vector<16xi32>, vector<16xi32>], vector<16xf32>,
            %scatter3A_671 = arith.constant 0 : i32
            %scatter3A_672 = arith.constant 0 : i32
            %scatter3A_673 = tpu.memref_slice %arg7[%scan3A_529, %scatter3A_671, %scatter3A_672] : memref<3x64x128xf32, #tpu.memory_space<vmem>> -> memref<1x64x128xf32, #tpu.memory_space<vmem>>
            %scatter3A_674 = tpu.memref_squeeze %scatter3A_673 : memref<1x64x128xf32, #tpu.memory_space<vmem>> -> memref<64x128xf32, #tpu.memory_space<vmem>>
            tpu.vector_store_idx %scatter3A_674[%add3A_665, %add3A_556], %gather3A_670 : memref<64x128xf32, #tpu.memory_space<vmem>>[vector<16xi32>, vector<16xi32>], vector<16xf32>,
            %add3A_675 = vector.broadcast %add3A_566 : i32 to vector<16xi32>
            %add3A_676 = arith.addi %select_n3A_270, %add3A_675 : vector<16xi32>
            %gather3A_677 = arith.constant 0 : i32
            %gather3A_678 = arith.constant 0 : i32
            %gather3A_679 = tpu.memref_slice %arg6[%scan3A_528, %gather3A_677, %gather3A_678] : memref<3x128x128xf32, #tpu.memory_space<vmem>> -> memref<1x128x128xf32, #tpu.memory_space<vmem>>
            %gather3A_680 = tpu.memref_squeeze %gather3A_679 : memref<1x128x128xf32, #tpu.memory_space<vmem>> -> memref<128x128xf32, #tpu.memory_space<vmem>>
            %gather3A_681 = tpu.vector_load_idx %gather3A_680[%add3A_556, %add3A_676] : memref<128x128xf32, #tpu.memory_space<vmem>>[vector<16xi32>, vector<16xi32>], vector<16xf32>,
            %scatter3A_682 = arith.constant 0 : i32
            %scatter3A_683 = arith.constant 0 : i32
            %scatter3A_684 = tpu.memref_slice %arg7[%scan3A_529, %scatter3A_682, %scatter3A_683] : memref<3x64x128xf32, #tpu.memory_space<vmem>> -> memref<1x64x128xf32, #tpu.memory_space<vmem>>
            %scatter3A_685 = tpu.memref_squeeze %scatter3A_684 : memref<1x64x128xf32, #tpu.memory_space<vmem>> -> memref<64x128xf32, #tpu.memory_space<vmem>>
            tpu.vector_store_idx %scatter3A_685[%add3A_676, %add3A_556], %gather3A_681 : memref<64x128xf32, #tpu.memory_space<vmem>>[vector<16xi32>, vector<16xi32>], vector<16xf32>,
            %add3A_686 = vector.broadcast %add3A_566 : i32 to vector<16xi32>
            %add3A_687 = arith.addi %select_n3A_295, %add3A_686 : vector<16xi32>
            %gather3A_688 = arith.constant 0 : i32
            %gather3A_689 = arith.constant 0 : i32
            %gather3A_690 = tpu.memref_slice %arg6[%scan3A_528, %gather3A_688, %gather3A_689] : memref<3x128x128xf32, #tpu.memory_space<vmem>> -> memref<1x128x128xf32, #tpu.memory_space<vmem>>
            %gather3A_691 = tpu.memref_squeeze %gather3A_690 : memref<1x128x128xf32, #tpu.memory_space<vmem>> -> memref<128x128xf32, #tpu.memory_space<vmem>>
            %gather3A_692 = tpu.vector_load_idx %gather3A_691[%add3A_556, %add3A_687] : memref<128x128xf32, #tpu.memory_space<vmem>>[vector<16xi32>, vector<16xi32>], vector<16xf32>,
            %scatter3A_693 = arith.constant 0 : i32
            %scatter3A_694 = arith.constant 0 : i32
            %scatter3A_695 = tpu.memref_slice %arg7[%scan3A_529, %scatter3A_693, %scatter3A_694] : memref<3x64x128xf32, #tpu.memory_space<vmem>> -> memref<1x64x128xf32, #tpu.memory_space<vmem>>
            %scatter3A_696 = tpu.memref_squeeze %scatter3A_695 : memref<1x64x128xf32, #tpu.memory_space<vmem>> -> memref<64x128xf32, #tpu.memory_space<vmem>>
            tpu.vector_store_idx %scatter3A_696[%add3A_687, %add3A_556], %gather3A_692 : memref<64x128xf32, #tpu.memory_space<vmem>>[vector<16xi32>, vector<16xi32>], vector<16xf32>,
            %add3A_697 = vector.broadcast %add3A_566 : i32 to vector<16xi32>
            %add3A_698 = arith.addi %select_n3A_320, %add3A_697 : vector<16xi32>
            %gather3A_699 = arith.constant 0 : i32
            %gather3A_700 = arith.constant 0 : i32
            %gather3A_701 = tpu.memref_slice %arg6[%scan3A_528, %gather3A_699, %gather3A_700] : memref<3x128x128xf32, #tpu.memory_space<vmem>> -> memref<1x128x128xf32, #tpu.memory_space<vmem>>
            %gather3A_702 = tpu.memref_squeeze %gather3A_701 : memref<1x128x128xf32, #tpu.memory_space<vmem>> -> memref<128x128xf32, #tpu.memory_space<vmem>>
            %gather3A_703 = tpu.vector_load_idx %gather3A_702[%add3A_556, %add3A_698] : memref<128x128xf32, #tpu.memory_space<vmem>>[vector<16xi32>, vector<16xi32>], vector<16xf32>,
            %scatter3A_704 = arith.constant 0 : i32
            %scatter3A_705 = arith.constant 0 : i32
            %scatter3A_706 = tpu.memref_slice %arg7[%scan3A_529, %scatter3A_704, %scatter3A_705] : memref<3x64x128xf32, #tpu.memory_space<vmem>> -> memref<1x64x128xf32, #tpu.memory_space<vmem>>
            %scatter3A_707 = tpu.memref_squeeze %scatter3A_706 : memref<1x64x128xf32, #tpu.memory_space<vmem>> -> memref<64x128xf32, #tpu.memory_space<vmem>>
            tpu.vector_store_idx %scatter3A_707[%add3A_698, %add3A_556], %gather3A_703 : memref<64x128xf32, #tpu.memory_space<vmem>>[vector<16xi32>, vector<16xi32>], vector<16xf32>,
            %add3A_708 = vector.broadcast %add3A_566 : i32 to vector<16xi32>
            %add3A_709 = arith.addi %select_n3A_345, %add3A_708 : vector<16xi32>
            %gather3A_710 = arith.constant 0 : i32
            %gather3A_711 = arith.constant 0 : i32
            %gather3A_712 = tpu.memref_slice %arg6[%scan3A_528, %gather3A_710, %gather3A_711] : memref<3x128x128xf32, #tpu.memory_space<vmem>> -> memref<1x128x128xf32, #tpu.memory_space<vmem>>
            %gather3A_713 = tpu.memref_squeeze %gather3A_712 : memref<1x128x128xf32, #tpu.memory_space<vmem>> -> memref<128x128xf32, #tpu.memory_space<vmem>>
            %gather3A_714 = tpu.vector_load_idx %gather3A_713[%add3A_556, %add3A_709] : memref<128x128xf32, #tpu.memory_space<vmem>>[vector<16xi32>, vector<16xi32>], vector<16xf32>,
            %scatter3A_715 = arith.constant 0 : i32
            %scatter3A_716 = arith.constant 0 : i32
            %scatter3A_717 = tpu.memref_slice %arg7[%scan3A_529, %scatter3A_715, %scatter3A_716] : memref<3x64x128xf32, #tpu.memory_space<vmem>> -> memref<1x64x128xf32, #tpu.memory_space<vmem>>
            %scatter3A_718 = tpu.memref_squeeze %scatter3A_717 : memref<1x64x128xf32, #tpu.memory_space<vmem>> -> memref<64x128xf32, #tpu.memory_space<vmem>>
            tpu.vector_store_idx %scatter3A_718[%add3A_709, %add3A_556], %gather3A_714 : memref<64x128xf32, #tpu.memory_space<vmem>>[vector<16xi32>, vector<16xi32>], vector<16xf32>,
            %add3A_719 = vector.broadcast %add3A_566 : i32 to vector<16xi32>
            %add3A_720 = arith.addi %select_n3A_370, %add3A_719 : vector<16xi32>
            %gather3A_721 = arith.constant 0 : i32
            %gather3A_722 = arith.constant 0 : i32
            %gather3A_723 = tpu.memref_slice %arg6[%scan3A_528, %gather3A_721, %gather3A_722] : memref<3x128x128xf32, #tpu.memory_space<vmem>> -> memref<1x128x128xf32, #tpu.memory_space<vmem>>
            %gather3A_724 = tpu.memref_squeeze %gather3A_723 : memref<1x128x128xf32, #tpu.memory_space<vmem>> -> memref<128x128xf32, #tpu.memory_space<vmem>>
            %gather3A_725 = tpu.vector_load_idx %gather3A_724[%add3A_556, %add3A_720] : memref<128x128xf32, #tpu.memory_space<vmem>>[vector<16xi32>, vector<16xi32>], vector<16xf32>,
            %scatter3A_726 = arith.constant 0 : i32
            %scatter3A_727 = arith.constant 0 : i32
            %scatter3A_728 = tpu.memref_slice %arg7[%scan3A_529, %scatter3A_726, %scatter3A_727] : memref<3x64x128xf32, #tpu.memory_space<vmem>> -> memref<1x64x128xf32, #tpu.memory_space<vmem>>
            %scatter3A_729 = tpu.memref_squeeze %scatter3A_728 : memref<1x64x128xf32, #tpu.memory_space<vmem>> -> memref<64x128xf32, #tpu.memory_space<vmem>>
            tpu.vector_store_idx %scatter3A_729[%add3A_720, %add3A_556], %gather3A_725 : memref<64x128xf32, #tpu.memory_space<vmem>>[vector<16xi32>, vector<16xi32>], vector<16xf32>,
            %add3A_730 = vector.broadcast %add3A_566 : i32 to vector<16xi32>
            %add3A_731 = arith.addi %select_n3A_395, %add3A_730 : vector<16xi32>
            %gather3A_732 = arith.constant 0 : i32
            %gather3A_733 = arith.constant 0 : i32
            %gather3A_734 = tpu.memref_slice %arg6[%scan3A_528, %gather3A_732, %gather3A_733] : memref<3x128x128xf32, #tpu.memory_space<vmem>> -> memref<1x128x128xf32, #tpu.memory_space<vmem>>
            %gather3A_735 = tpu.memref_squeeze %gather3A_734 : memref<1x128x128xf32, #tpu.memory_space<vmem>> -> memref<128x128xf32, #tpu.memory_space<vmem>>
            %gather3A_736 = tpu.vector_load_idx %gather3A_735[%add3A_556, %add3A_731] : memref<128x128xf32, #tpu.memory_space<vmem>>[vector<16xi32>, vector<16xi32>], vector<16xf32>,
            %scatter3A_737 = arith.constant 0 : i32
            %scatter3A_738 = arith.constant 0 : i32
            %scatter3A_739 = tpu.memref_slice %arg7[%scan3A_529, %scatter3A_737, %scatter3A_738] : memref<3x64x128xf32, #tpu.memory_space<vmem>> -> memref<1x64x128xf32, #tpu.memory_space<vmem>>
            %scatter3A_740 = tpu.memref_squeeze %scatter3A_739 : memref<1x64x128xf32, #tpu.memory_space<vmem>> -> memref<64x128xf32, #tpu.memory_space<vmem>>
            tpu.vector_store_idx %scatter3A_740[%add3A_731, %add3A_556], %gather3A_736 : memref<64x128xf32, #tpu.memory_space<vmem>>[vector<16xi32>, vector<16xi32>], vector<16xf32>,
          }
          %scan3A_561 = arith.constant 4 : i32
        }
        %scan3A_534 = arith.constant 8 : i32
        %dma_start3A_535 = arith.constant 1 : i32
        %dma_start3A_536 = arith.constant 0 : i32
        %dma_start3A_537 = arith.constant 0 : i32
        %dma_start3A_538 = tpu.memref_slice %arg7[%dma_start3A_535, %dma_start3A_536, %dma_start3A_537] : memref<3x64x128xf32, #tpu.memory_space<vmem>> -> memref<1x64x128xf32, #tpu.memory_space<vmem>>
        %dma_start3A_539 = tpu.memref_squeeze %dma_start3A_538 : memref<1x64x128xf32, #tpu.memory_space<vmem>> -> memref<64x128xf32, #tpu.memory_space<vmem>>
        %dma_start3A_540 = arith.constant 0 : i32
        %dma_start3A_541 = tpu.memref_slice %arg4[%add3A_466, %dma_start3A_540, %mul3A_2] : memref<50x64x4096xf32, #tpu.memory_space<hbm>> -> memref<1x64x128xf32, #tpu.memory_space<hbm>>
        %dma_start3A_542 = tpu.memref_squeeze %dma_start3A_541 : memref<1x64x128xf32, #tpu.memory_space<hbm>> -> memref<64x128xf32, #tpu.memory_space<hbm>>
        %dma_start3A_543 = arith.constant 0 : i32
        %dma_start3A_544 = tpu.memref_slice %arg4[%add3A_466, %dma_start3A_543, %mul3A_2] : memref<50x64x4096xf32, #tpu.memory_space<hbm>> -> memref<1x64x128xf32, #tpu.memory_space<hbm>>
        %dma_start3A_545 = tpu.memref_squeeze %dma_start3A_544 : memref<1x64x128xf32, #tpu.memory_space<hbm>> -> memref<64x128xf32, #tpu.memory_space<hbm>>
        %dma_start3A_546 = arith.constant 0 : i32
        %dma_start3A_547 = arith.constant 0 : i32
        %dma_start3A_548 = tpu.memref_slice %arg7[%dma_start3A_535, %dma_start3A_546, %dma_start3A_547] : memref<3x64x128xf32, #tpu.memory_space<vmem>> -> memref<1x64x128xf32, #tpu.memory_space<vmem>>
        %dma_start3A_549 = tpu.memref_squeeze %dma_start3A_548 : memref<1x64x128xf32, #tpu.memory_space<vmem>> -> memref<64x128xf32, #tpu.memory_space<vmem>>
        tpu.enqueue_dma source(%dma_start3A_549 : memref<64x128xf32, #tpu.memory_space<vmem>>) target(%dma_start3A_545 : memref<64x128xf32, #tpu.memory_space<hbm>>) target_semaphore(%arg12 : memref<!tpu.dma_semaphore, #tpu.memory_space<semaphore_mem>>)
      } else {
      }
      %add3A_491 = arith.constant 2 : i32
      %add3A_492 = arith.addi %add3A_442, %add3A_491 : i32
      %sub3A_493 = arith.constant 2 : i32
      %sub3A_494 = arith.subi %add3A_492, %sub3A_493 : i32
      %ge3A_495 = arith.constant 0 : i32
      %ge3A_496 = arith.cmpi sge, %sub3A_494, %ge3A_495 : i32
      %sub3A_497 = arith.constant 2 : i32
      %sub3A_498 = arith.subi %add3A_492, %sub3A_497 : i32
      %lt3A_499 = arith.constant 50 : i32
      %lt3A_500 = arith.cmpi slt, %sub3A_498, %lt3A_499 : i32
      %and3A_501 = arith.andi %ge3A_496, %lt3A_500 : i1
      %convert_element_type3A_502 = arith.extui %and3A_501 : i1 to i32
      %cond3A_503 = arith.constant 0 : i32
      %cond3A_504 = arith.cmpi ne, %convert_element_type3A_502, %cond3A_503 : i32
      scf.if %cond3A_504 {
        %sub3A_517 = arith.constant 2 : i32
        %sub3A_518 = arith.subi %add3A_492, %sub3A_517 : i32
        %dma_wait3A_519 = arith.constant 0 : i32
        %dma_wait3A_520 = arith.constant 0 : i32
        %dma_wait3A_521 = arith.constant 0 : i32
        %dma_wait3A_522 = tpu.memref_slice %arg7[%dma_wait3A_519, %dma_wait3A_520, %dma_wait3A_521] : memref<3x64x128xf32, #tpu.memory_space<vmem>> -> memref<1x64x128xf32, #tpu.memory_space<vmem>>
        %dma_wait3A_523 = tpu.memref_squeeze %dma_wait3A_522 : memref<1x64x128xf32, #tpu.memory_space<vmem>> -> memref<64x128xf32, #tpu.memory_space<vmem>>
        %dma_wait3A_524 = arith.constant 0 : i32
        %dma_wait3A_525 = tpu.memref_slice %arg4[%sub3A_518, %dma_wait3A_524, %mul3A_2] : memref<50x64x4096xf32, #tpu.memory_space<hbm>> -> memref<1x64x128xf32, #tpu.memory_space<hbm>>
        %dma_wait3A_526 = tpu.memref_squeeze %dma_wait3A_525 : memref<1x64x128xf32, #tpu.memory_space<hbm>> -> memref<64x128xf32, #tpu.memory_space<hbm>>
        %dma_wait3A_527 = arith.constant 0 : i32
        %dma_wait3A_528 = tpu.memref_slice %arg4[%sub3A_518, %dma_wait3A_527, %mul3A_2] : memref<50x64x4096xf32, #tpu.memory_space<hbm>> -> memref<1x64x128xf32, #tpu.memory_space<hbm>>
        %dma_wait3A_529 = tpu.memref_squeeze %dma_wait3A_528 : memref<1x64x128xf32, #tpu.memory_space<hbm>> -> memref<64x128xf32, #tpu.memory_space<hbm>>
        %dma_wait3A_530 = arith.constant 0 : i32
        %dma_wait3A_531 = arith.constant 0 : i32
        %dma_wait3A_532 = tpu.memref_slice %arg7[%dma_wait3A_519, %dma_wait3A_530, %dma_wait3A_531] : memref<3x64x128xf32, #tpu.memory_space<vmem>> -> memref<1x64x128xf32, #tpu.memory_space<vmem>>
        %dma_wait3A_533 = tpu.memref_squeeze %dma_wait3A_532 : memref<1x64x128xf32, #tpu.memory_space<vmem>> -> memref<64x128xf32, #tpu.memory_space<vmem>>
        tpu.wait_dma2 semaphore(%arg11 : memref<!tpu.dma_semaphore, #tpu.memory_space<semaphore_mem>>) src(%dma_wait3A_533 : memref<64x128xf32, #tpu.memory_space<vmem>>) dst(%dma_wait3A_529 : memref<64x128xf32, #tpu.memory_space<hbm>>)
      } else {
      }
      %add3A_505 = arith.constant 2 : i32
      %add3A_506 = arith.addi %add3A_492, %add3A_505 : i32
      %lt3A_507 = arith.constant 50 : i32
      %lt3A_508 = arith.cmpi slt, %add3A_506, %lt3A_507 : i32
      %convert_element_type3A_509 = arith.extui %lt3A_508 : i1 to i32
      %cond3A_510 = arith.constant 0 : i32
      %cond3A_511 = arith.cmpi ne, %convert_element_type3A_509, %cond3A_510 : i32
      scf.if %cond3A_511 {
        %add3A_517 = arith.constant 2 : i32
        %add3A_518 = arith.addi %add3A_492, %add3A_517 : i32
        %dma_start3A_519 = arith.constant 1 : i32
        %dma_start3A_520 = arith.constant 0 : i32
        %dma_start3A_521 = arith.constant 0 : i32
        %dma_start3A_522 = tpu.memref_slice %arg6[%dma_start3A_519, %dma_start3A_520, %dma_start3A_521] : memref<3x128x128xf32, #tpu.memory_space<vmem>> -> memref<1x128x128xf32, #tpu.memory_space<vmem>>
        %dma_start3A_523 = tpu.memref_squeeze %dma_start3A_522 : memref<1x128x128xf32, #tpu.memory_space<vmem>> -> memref<128x128xf32, #tpu.memory_space<vmem>>
        %dma_start3A_524 = arith.constant 0 : i32
        %dma_start3A_525 = tpu.memref_slice %arg5[%add3A_518, %dma_start3A_524] : memref<50x128xi32, #tpu.memory_space<vmem>> -> memref<1x128xi32, #tpu.memory_space<vmem>>
        %dma_start3A_526 = tpu.memref_squeeze %dma_start3A_525 : memref<1x128xi32, #tpu.memory_space<vmem>> -> memref<128xi32, #tpu.memory_space<vmem>>
        %dma_start3A_527 = arith.constant 0 : i32
        %dma_start3A_528 = arith.constant 0 : i32
        %dma_start3A_529 = tpu.memref_slice %arg3[%dma_start3A_527, %dma_start3A_528] : memref<1000000x128xf32, #tpu.memory_space<hbm>> -> memref<1000000x128xf32, #tpu.memory_space<hbm>>
        tpu.enqueue_indirect_dma source(%dma_start3A_529 : memref<1000000x128xf32, #tpu.memory_space<hbm>>) target(%dma_start3A_523 : memref<128x128xf32, #tpu.memory_space<vmem>>) offsets(%dma_start3A_526 : memref<128xi32, #tpu.memory_space<vmem>>) semaphore(%arg9 : memref<!tpu.dma_semaphore, #tpu.memory_space<semaphore_mem>>)
      } else {
      }
      %lt3A_512 = arith.constant 50 : i32
      %lt3A_513 = arith.cmpi slt, %add3A_492, %lt3A_512 : i32
      %convert_element_type3A_514 = arith.extui %lt3A_513 : i1 to i32
      %cond3A_515 = arith.constant 0 : i32
      %cond3A_516 = arith.cmpi ne, %convert_element_type3A_514, %cond3A_515 : i32
      scf.if %cond3A_516 {
        %dma_wait3A_517 = arith.constant 2 : i32
        %dma_wait3A_518 = arith.constant 0 : i32
        %dma_wait3A_519 = arith.constant 0 : i32
        %dma_wait3A_520 = tpu.memref_slice %arg6[%dma_wait3A_517, %dma_wait3A_518, %dma_wait3A_519] : memref<3x128x128xf32, #tpu.memory_space<vmem>> -> memref<1x128x128xf32, #tpu.memory_space<vmem>>
        %dma_wait3A_521 = tpu.memref_squeeze %dma_wait3A_520 : memref<1x128x128xf32, #tpu.memory_space<vmem>> -> memref<128x128xf32, #tpu.memory_space<vmem>>
        %dma_wait3A_522 = arith.constant 0 : i32
        %dma_wait3A_523 = tpu.memref_slice %arg5[%add3A_492, %dma_wait3A_522] : memref<50x128xi32, #tpu.memory_space<vmem>> -> memref<1x128xi32, #tpu.memory_space<vmem>>
        %dma_wait3A_524 = tpu.memref_squeeze %dma_wait3A_523 : memref<1x128xi32, #tpu.memory_space<vmem>> -> memref<128xi32, #tpu.memory_space<vmem>>
        %dma_wait3A_525 = arith.constant 0 : i32
        %dma_wait3A_526 = arith.constant 0 : i32
        %dma_wait3A_527 = tpu.memref_slice %arg3[%dma_wait3A_525, %dma_wait3A_526] : memref<1000000x128xf32, #tpu.memory_space<hbm>> -> memref<1000000x128xf32, #tpu.memory_space<hbm>>
        tpu.wait_indirect_dma semaphore(%arg10 : memref<!tpu.dma_semaphore, #tpu.memory_space<semaphore_mem>>) src(%dma_wait3A_527 : memref<1000000x128xf32, #tpu.memory_space<hbm>>) dst(%dma_wait3A_521 : memref<128x128xf32, #tpu.memory_space<vmem>>)
        %scan3A_528 = arith.constant 2 : i32
        %scan3A_529 = arith.constant 2 : i32
        %scan3A_530 = arith.constant 0 : i32
        %scan3A_531 = arith.constant 8 : i32
        %scan3A_532 = arith.addi %scan3A_530, %scan3A_531 : i32
        %scan3A_533 = arith.constant 1 : i32
        scf.for %scan3A_550 = %scan3A_530 to %scan3A_532 step %scan3A_533  : i32 {
          %mul3A_551 = arith.constant 16 : i32
          %mul3A_552 = arith.muli %scan3A_550, %mul3A_551 : i32
          %add3A_553 = arith.constant 0 : i32
          %add3A_554 = arith.addi %add3A_553, %mul3A_552 : i32
          %add3A_555 = vector.broadcast %add3A_554 : i32 to vector<16xi32>
          %add3A_556 = arith.addi %iota3A, %add3A_555 : vector<16xi32>
          %scan3A_557 = arith.constant 0 : i32
          %scan3A_558 = arith.constant 4 : i32
          %scan3A_559 = arith.addi %scan3A_557, %scan3A_558 : i32
          %scan3A_560 = arith.constant 1 : i32
          scf.for %scan3A_562 = %scan3A_557 to %scan3A_559 step %scan3A_560  : i32 {
            %mul3A_563 = arith.constant 16 : i32
            %mul3A_564 = arith.muli %scan3A_562, %mul3A_563 : i32
            %add3A_565 = arith.constant 0 : i32
            %add3A_566 = arith.addi %add3A_565, %mul3A_564 : i32
            %add3A_567 = vector.broadcast %add3A_566 : i32 to vector<16xi32>
            %add3A_568 = arith.addi %select_n3A_20, %add3A_567 : vector<16xi32>
            %gather3A = arith.constant 0 : i32
            %gather3A_569 = arith.constant 0 : i32
            %gather3A_570 = tpu.memref_slice %arg6[%scan3A_528, %gather3A, %gather3A_569] : memref<3x128x128xf32, #tpu.memory_space<vmem>> -> memref<1x128x128xf32, #tpu.memory_space<vmem>>
            %gather3A_571 = tpu.memref_squeeze %gather3A_570 : memref<1x128x128xf32, #tpu.memory_space<vmem>> -> memref<128x128xf32, #tpu.memory_space<vmem>>
            %gather3A_572 = tpu.vector_load_idx %gather3A_571[%add3A_556, %add3A_568] : memref<128x128xf32, #tpu.memory_space<vmem>>[vector<16xi32>, vector<16xi32>], vector<16xf32>,
            %scatter3A = arith.constant 0 : i32
            %scatter3A_573 = arith.constant 0 : i32
            %scatter3A_574 = tpu.memref_slice %arg7[%scan3A_529, %scatter3A, %scatter3A_573] : memref<3x64x128xf32, #tpu.memory_space<vmem>> -> memref<1x64x128xf32, #tpu.memory_space<vmem>>
            %scatter3A_575 = tpu.memref_squeeze %scatter3A_574 : memref<1x64x128xf32, #tpu.memory_space<vmem>> -> memref<64x128xf32, #tpu.memory_space<vmem>>
            tpu.vector_store_idx %scatter3A_575[%add3A_568, %add3A_556], %gather3A_572 : memref<64x128xf32, #tpu.memory_space<vmem>>[vector<16xi32>, vector<16xi32>], vector<16xf32>,
            %add3A_576 = vector.broadcast %add3A_566 : i32 to vector<16xi32>
            %add3A_577 = arith.addi %select_n3A_45, %add3A_576 : vector<16xi32>
            %gather3A_578 = arith.constant 0 : i32
            %gather3A_579 = arith.constant 0 : i32
            %gather3A_580 = tpu.memref_slice %arg6[%scan3A_528, %gather3A_578, %gather3A_579] : memref<3x128x128xf32, #tpu.memory_space<vmem>> -> memref<1x128x128xf32, #tpu.memory_space<vmem>>
            %gather3A_581 = tpu.memref_squeeze %gather3A_580 : memref<1x128x128xf32, #tpu.memory_space<vmem>> -> memref<128x128xf32, #tpu.memory_space<vmem>>
            %gather3A_582 = tpu.vector_load_idx %gather3A_581[%add3A_556, %add3A_577] : memref<128x128xf32, #tpu.memory_space<vmem>>[vector<16xi32>, vector<16xi32>], vector<16xf32>,
            %scatter3A_583 = arith.constant 0 : i32
            %scatter3A_584 = arith.constant 0 : i32
            %scatter3A_585 = tpu.memref_slice %arg7[%scan3A_529, %scatter3A_583, %scatter3A_584] : memref<3x64x128xf32, #tpu.memory_space<vmem>> -> memref<1x64x128xf32, #tpu.memory_space<vmem>>
            %scatter3A_586 = tpu.memref_squeeze %scatter3A_585 : memref<1x64x128xf32, #tpu.memory_space<vmem>> -> memref<64x128xf32, #tpu.memory_space<vmem>>
            tpu.vector_store_idx %scatter3A_586[%add3A_577, %add3A_556], %gather3A_582 : memref<64x128xf32, #tpu.memory_space<vmem>>[vector<16xi32>, vector<16xi32>], vector<16xf32>,
            %add3A_587 = vector.broadcast %add3A_566 : i32 to vector<16xi32>
            %add3A_588 = arith.addi %select_n3A_70, %add3A_587 : vector<16xi32>
            %gather3A_589 = arith.constant 0 : i32
            %gather3A_590 = arith.constant 0 : i32
            %gather3A_591 = tpu.memref_slice %arg6[%scan3A_528, %gather3A_589, %gather3A_590] : memref<3x128x128xf32, #tpu.memory_space<vmem>> -> memref<1x128x128xf32, #tpu.memory_space<vmem>>
            %gather3A_592 = tpu.memref_squeeze %gather3A_591 : memref<1x128x128xf32, #tpu.memory_space<vmem>> -> memref<128x128xf32, #tpu.memory_space<vmem>>
            %gather3A_593 = tpu.vector_load_idx %gather3A_592[%add3A_556, %add3A_588] : memref<128x128xf32, #tpu.memory_space<vmem>>[vector<16xi32>, vector<16xi32>], vector<16xf32>,
            %scatter3A_594 = arith.constant 0 : i32
            %scatter3A_595 = arith.constant 0 : i32
            %scatter3A_596 = tpu.memref_slice %arg7[%scan3A_529, %scatter3A_594, %scatter3A_595] : memref<3x64x128xf32, #tpu.memory_space<vmem>> -> memref<1x64x128xf32, #tpu.memory_space<vmem>>
            %scatter3A_597 = tpu.memref_squeeze %scatter3A_596 : memref<1x64x128xf32, #tpu.memory_space<vmem>> -> memref<64x128xf32, #tpu.memory_space<vmem>>
            tpu.vector_store_idx %scatter3A_597[%add3A_588, %add3A_556], %gather3A_593 : memref<64x128xf32, #tpu.memory_space<vmem>>[vector<16xi32>, vector<16xi32>], vector<16xf32>,
            %add3A_598 = vector.broadcast %add3A_566 : i32 to vector<16xi32>
            %add3A_599 = arith.addi %select_n3A_95, %add3A_598 : vector<16xi32>
            %gather3A_600 = arith.constant 0 : i32
            %gather3A_601 = arith.constant 0 : i32
            %gather3A_602 = tpu.memref_slice %arg6[%scan3A_528, %gather3A_600, %gather3A_601] : memref<3x128x128xf32, #tpu.memory_space<vmem>> -> memref<1x128x128xf32, #tpu.memory_space<vmem>>
            %gather3A_603 = tpu.memref_squeeze %gather3A_602 : memref<1x128x128xf32, #tpu.memory_space<vmem>> -> memref<128x128xf32, #tpu.memory_space<vmem>>
            %gather3A_604 = tpu.vector_load_idx %gather3A_603[%add3A_556, %add3A_599] : memref<128x128xf32, #tpu.memory_space<vmem>>[vector<16xi32>, vector<16xi32>], vector<16xf32>,
            %scatter3A_605 = arith.constant 0 : i32
            %scatter3A_606 = arith.constant 0 : i32
            %scatter3A_607 = tpu.memref_slice %arg7[%scan3A_529, %scatter3A_605, %scatter3A_606] : memref<3x64x128xf32, #tpu.memory_space<vmem>> -> memref<1x64x128xf32, #tpu.memory_space<vmem>>
            %scatter3A_608 = tpu.memref_squeeze %scatter3A_607 : memref<1x64x128xf32, #tpu.memory_space<vmem>> -> memref<64x128xf32, #tpu.memory_space<vmem>>
            tpu.vector_store_idx %scatter3A_608[%add3A_599, %add3A_556], %gather3A_604 : memref<64x128xf32, #tpu.memory_space<vmem>>[vector<16xi32>, vector<16xi32>], vector<16xf32>,
            %add3A_609 = vector.broadcast %add3A_566 : i32 to vector<16xi32>
            %add3A_610 = arith.addi %select_n3A_120, %add3A_609 : vector<16xi32>
            %gather3A_611 = arith.constant 0 : i32
            %gather3A_612 = arith.constant 0 : i32
            %gather3A_613 = tpu.memref_slice %arg6[%scan3A_528, %gather3A_611, %gather3A_612] : memref<3x128x128xf32, #tpu.memory_space<vmem>> -> memref<1x128x128xf32, #tpu.memory_space<vmem>>
            %gather3A_614 = tpu.memref_squeeze %gather3A_613 : memref<1x128x128xf32, #tpu.memory_space<vmem>> -> memref<128x128xf32, #tpu.memory_space<vmem>>
            %gather3A_615 = tpu.vector_load_idx %gather3A_614[%add3A_556, %add3A_610] : memref<128x128xf32, #tpu.memory_space<vmem>>[vector<16xi32>, vector<16xi32>], vector<16xf32>,
            %scatter3A_616 = arith.constant 0 : i32
            %scatter3A_617 = arith.constant 0 : i32
            %scatter3A_618 = tpu.memref_slice %arg7[%scan3A_529, %scatter3A_616, %scatter3A_617] : memref<3x64x128xf32, #tpu.memory_space<vmem>> -> memref<1x64x128xf32, #tpu.memory_space<vmem>>
            %scatter3A_619 = tpu.memref_squeeze %scatter3A_618 : memref<1x64x128xf32, #tpu.memory_space<vmem>> -> memref<64x128xf32, #tpu.memory_space<vmem>>
            tpu.vector_store_idx %scatter3A_619[%add3A_610, %add3A_556], %gather3A_615 : memref<64x128xf32, #tpu.memory_space<vmem>>[vector<16xi32>, vector<16xi32>], vector<16xf32>,
            %add3A_620 = vector.broadcast %add3A_566 : i32 to vector<16xi32>
            %add3A_621 = arith.addi %select_n3A_145, %add3A_620 : vector<16xi32>
            %gather3A_622 = arith.constant 0 : i32
            %gather3A_623 = arith.constant 0 : i32
            %gather3A_624 = tpu.memref_slice %arg6[%scan3A_528, %gather3A_622, %gather3A_623] : memref<3x128x128xf32, #tpu.memory_space<vmem>> -> memref<1x128x128xf32, #tpu.memory_space<vmem>>
            %gather3A_625 = tpu.memref_squeeze %gather3A_624 : memref<1x128x128xf32, #tpu.memory_space<vmem>> -> memref<128x128xf32, #tpu.memory_space<vmem>>
            %gather3A_626 = tpu.vector_load_idx %gather3A_625[%add3A_556, %add3A_621] : memref<128x128xf32, #tpu.memory_space<vmem>>[vector<16xi32>, vector<16xi32>], vector<16xf32>,
            %scatter3A_627 = arith.constant 0 : i32
            %scatter3A_628 = arith.constant 0 : i32
            %scatter3A_629 = tpu.memref_slice %arg7[%scan3A_529, %scatter3A_627, %scatter3A_628] : memref<3x64x128xf32, #tpu.memory_space<vmem>> -> memref<1x64x128xf32, #tpu.memory_space<vmem>>
            %scatter3A_630 = tpu.memref_squeeze %scatter3A_629 : memref<1x64x128xf32, #tpu.memory_space<vmem>> -> memref<64x128xf32, #tpu.memory_space<vmem>>
            tpu.vector_store_idx %scatter3A_630[%add3A_621, %add3A_556], %gather3A_626 : memref<64x128xf32, #tpu.memory_space<vmem>>[vector<16xi32>, vector<16xi32>], vector<16xf32>,
            %add3A_631 = vector.broadcast %add3A_566 : i32 to vector<16xi32>
            %add3A_632 = arith.addi %select_n3A_170, %add3A_631 : vector<16xi32>
            %gather3A_633 = arith.constant 0 : i32
            %gather3A_634 = arith.constant 0 : i32
            %gather3A_635 = tpu.memref_slice %arg6[%scan3A_528, %gather3A_633, %gather3A_634] : memref<3x128x128xf32, #tpu.memory_space<vmem>> -> memref<1x128x128xf32, #tpu.memory_space<vmem>>
            %gather3A_636 = tpu.memref_squeeze %gather3A_635 : memref<1x128x128xf32, #tpu.memory_space<vmem>> -> memref<128x128xf32, #tpu.memory_space<vmem>>
            %gather3A_637 = tpu.vector_load_idx %gather3A_636[%add3A_556, %add3A_632] : memref<128x128xf32, #tpu.memory_space<vmem>>[vector<16xi32>, vector<16xi32>], vector<16xf32>,
            %scatter3A_638 = arith.constant 0 : i32
            %scatter3A_639 = arith.constant 0 : i32
            %scatter3A_640 = tpu.memref_slice %arg7[%scan3A_529, %scatter3A_638, %scatter3A_639] : memref<3x64x128xf32, #tpu.memory_space<vmem>> -> memref<1x64x128xf32, #tpu.memory_space<vmem>>
            %scatter3A_641 = tpu.memref_squeeze %scatter3A_640 : memref<1x64x128xf32, #tpu.memory_space<vmem>> -> memref<64x128xf32, #tpu.memory_space<vmem>>
            tpu.vector_store_idx %scatter3A_641[%add3A_632, %add3A_556], %gather3A_637 : memref<64x128xf32, #tpu.memory_space<vmem>>[vector<16xi32>, vector<16xi32>], vector<16xf32>,
            %add3A_642 = vector.broadcast %add3A_566 : i32 to vector<16xi32>
            %add3A_643 = arith.addi %select_n3A_195, %add3A_642 : vector<16xi32>
            %gather3A_644 = arith.constant 0 : i32
            %gather3A_645 = arith.constant 0 : i32
            %gather3A_646 = tpu.memref_slice %arg6[%scan3A_528, %gather3A_644, %gather3A_645] : memref<3x128x128xf32, #tpu.memory_space<vmem>> -> memref<1x128x128xf32, #tpu.memory_space<vmem>>
            %gather3A_647 = tpu.memref_squeeze %gather3A_646 : memref<1x128x128xf32, #tpu.memory_space<vmem>> -> memref<128x128xf32, #tpu.memory_space<vmem>>
            %gather3A_648 = tpu.vector_load_idx %gather3A_647[%add3A_556, %add3A_643] : memref<128x128xf32, #tpu.memory_space<vmem>>[vector<16xi32>, vector<16xi32>], vector<16xf32>,
            %scatter3A_649 = arith.constant 0 : i32
            %scatter3A_650 = arith.constant 0 : i32
            %scatter3A_651 = tpu.memref_slice %arg7[%scan3A_529, %scatter3A_649, %scatter3A_650] : memref<3x64x128xf32, #tpu.memory_space<vmem>> -> memref<1x64x128xf32, #tpu.memory_space<vmem>>
            %scatter3A_652 = tpu.memref_squeeze %scatter3A_651 : memref<1x64x128xf32, #tpu.memory_space<vmem>> -> memref<64x128xf32, #tpu.memory_space<vmem>>
            tpu.vector_store_idx %scatter3A_652[%add3A_643, %add3A_556], %gather3A_648 : memref<64x128xf32, #tpu.memory_space<vmem>>[vector<16xi32>, vector<16xi32>], vector<16xf32>,
            %add3A_653 = vector.broadcast %add3A_566 : i32 to vector<16xi32>
            %add3A_654 = arith.addi %select_n3A_220, %add3A_653 : vector<16xi32>
            %gather3A_655 = arith.constant 0 : i32
            %gather3A_656 = arith.constant 0 : i32
            %gather3A_657 = tpu.memref_slice %arg6[%scan3A_528, %gather3A_655, %gather3A_656] : memref<3x128x128xf32, #tpu.memory_space<vmem>> -> memref<1x128x128xf32, #tpu.memory_space<vmem>>
            %gather3A_658 = tpu.memref_squeeze %gather3A_657 : memref<1x128x128xf32, #tpu.memory_space<vmem>> -> memref<128x128xf32, #tpu.memory_space<vmem>>
            %gather3A_659 = tpu.vector_load_idx %gather3A_658[%add3A_556, %add3A_654] : memref<128x128xf32, #tpu.memory_space<vmem>>[vector<16xi32>, vector<16xi32>], vector<16xf32>,
            %scatter3A_660 = arith.constant 0 : i32
            %scatter3A_661 = arith.constant 0 : i32
            %scatter3A_662 = tpu.memref_slice %arg7[%scan3A_529, %scatter3A_660, %scatter3A_661] : memref<3x64x128xf32, #tpu.memory_space<vmem>> -> memref<1x64x128xf32, #tpu.memory_space<vmem>>
            %scatter3A_663 = tpu.memref_squeeze %scatter3A_662 : memref<1x64x128xf32, #tpu.memory_space<vmem>> -> memref<64x128xf32, #tpu.memory_space<vmem>>
            tpu.vector_store_idx %scatter3A_663[%add3A_654, %add3A_556], %gather3A_659 : memref<64x128xf32, #tpu.memory_space<vmem>>[vector<16xi32>, vector<16xi32>], vector<16xf32>,
            %add3A_664 = vector.broadcast %add3A_566 : i32 to vector<16xi32>
            %add3A_665 = arith.addi %select_n3A_245, %add3A_664 : vector<16xi32>
            %gather3A_666 = arith.constant 0 : i32
            %gather3A_667 = arith.constant 0 : i32
            %gather3A_668 = tpu.memref_slice %arg6[%scan3A_528, %gather3A_666, %gather3A_667] : memref<3x128x128xf32, #tpu.memory_space<vmem>> -> memref<1x128x128xf32, #tpu.memory_space<vmem>>
            %gather3A_669 = tpu.memref_squeeze %gather3A_668 : memref<1x128x128xf32, #tpu.memory_space<vmem>> -> memref<128x128xf32, #tpu.memory_space<vmem>>
            %gather3A_670 = tpu.vector_load_idx %gather3A_669[%add3A_556, %add3A_665] : memref<128x128xf32, #tpu.memory_space<vmem>>[vector<16xi32>, vector<16xi32>], vector<16xf32>,
            %scatter3A_671 = arith.constant 0 : i32
            %scatter3A_672 = arith.constant 0 : i32
            %scatter3A_673 = tpu.memref_slice %arg7[%scan3A_529, %scatter3A_671, %scatter3A_672] : memref<3x64x128xf32, #tpu.memory_space<vmem>> -> memref<1x64x128xf32, #tpu.memory_space<vmem>>
            %scatter3A_674 = tpu.memref_squeeze %scatter3A_673 : memref<1x64x128xf32, #tpu.memory_space<vmem>> -> memref<64x128xf32, #tpu.memory_space<vmem>>
            tpu.vector_store_idx %scatter3A_674[%add3A_665, %add3A_556], %gather3A_670 : memref<64x128xf32, #tpu.memory_space<vmem>>[vector<16xi32>, vector<16xi32>], vector<16xf32>,
            %add3A_675 = vector.broadcast %add3A_566 : i32 to vector<16xi32>
            %add3A_676 = arith.addi %select_n3A_270, %add3A_675 : vector<16xi32>
            %gather3A_677 = arith.constant 0 : i32
            %gather3A_678 = arith.constant 0 : i32
            %gather3A_679 = tpu.memref_slice %arg6[%scan3A_528, %gather3A_677, %gather3A_678] : memref<3x128x128xf32, #tpu.memory_space<vmem>> -> memref<1x128x128xf32, #tpu.memory_space<vmem>>
            %gather3A_680 = tpu.memref_squeeze %gather3A_679 : memref<1x128x128xf32, #tpu.memory_space<vmem>> -> memref<128x128xf32, #tpu.memory_space<vmem>>
            %gather3A_681 = tpu.vector_load_idx %gather3A_680[%add3A_556, %add3A_676] : memref<128x128xf32, #tpu.memory_space<vmem>>[vector<16xi32>, vector<16xi32>], vector<16xf32>,
            %scatter3A_682 = arith.constant 0 : i32
            %scatter3A_683 = arith.constant 0 : i32
            %scatter3A_684 = tpu.memref_slice %arg7[%scan3A_529, %scatter3A_682, %scatter3A_683] : memref<3x64x128xf32, #tpu.memory_space<vmem>> -> memref<1x64x128xf32, #tpu.memory_space<vmem>>
            %scatter3A_685 = tpu.memref_squeeze %scatter3A_684 : memref<1x64x128xf32, #tpu.memory_space<vmem>> -> memref<64x128xf32, #tpu.memory_space<vmem>>
            tpu.vector_store_idx %scatter3A_685[%add3A_676, %add3A_556], %gather3A_681 : memref<64x128xf32, #tpu.memory_space<vmem>>[vector<16xi32>, vector<16xi32>], vector<16xf32>,
            %add3A_686 = vector.broadcast %add3A_566 : i32 to vector<16xi32>
            %add3A_687 = arith.addi %select_n3A_295, %add3A_686 : vector<16xi32>
            %gather3A_688 = arith.constant 0 : i32
            %gather3A_689 = arith.constant 0 : i32
            %gather3A_690 = tpu.memref_slice %arg6[%scan3A_528, %gather3A_688, %gather3A_689] : memref<3x128x128xf32, #tpu.memory_space<vmem>> -> memref<1x128x128xf32, #tpu.memory_space<vmem>>
            %gather3A_691 = tpu.memref_squeeze %gather3A_690 : memref<1x128x128xf32, #tpu.memory_space<vmem>> -> memref<128x128xf32, #tpu.memory_space<vmem>>
            %gather3A_692 = tpu.vector_load_idx %gather3A_691[%add3A_556, %add3A_687] : memref<128x128xf32, #tpu.memory_space<vmem>>[vector<16xi32>, vector<16xi32>], vector<16xf32>,
            %scatter3A_693 = arith.constant 0 : i32
            %scatter3A_694 = arith.constant 0 : i32
            %scatter3A_695 = tpu.memref_slice %arg7[%scan3A_529, %scatter3A_693, %scatter3A_694] : memref<3x64x128xf32, #tpu.memory_space<vmem>> -> memref<1x64x128xf32, #tpu.memory_space<vmem>>
            %scatter3A_696 = tpu.memref_squeeze %scatter3A_695 : memref<1x64x128xf32, #tpu.memory_space<vmem>> -> memref<64x128xf32, #tpu.memory_space<vmem>>
            tpu.vector_store_idx %scatter3A_696[%add3A_687, %add3A_556], %gather3A_692 : memref<64x128xf32, #tpu.memory_space<vmem>>[vector<16xi32>, vector<16xi32>], vector<16xf32>,
            %add3A_697 = vector.broadcast %add3A_566 : i32 to vector<16xi32>
            %add3A_698 = arith.addi %select_n3A_320, %add3A_697 : vector<16xi32>
            %gather3A_699 = arith.constant 0 : i32
            %gather3A_700 = arith.constant 0 : i32
            %gather3A_701 = tpu.memref_slice %arg6[%scan3A_528, %gather3A_699, %gather3A_700] : memref<3x128x128xf32, #tpu.memory_space<vmem>> -> memref<1x128x128xf32, #tpu.memory_space<vmem>>
            %gather3A_702 = tpu.memref_squeeze %gather3A_701 : memref<1x128x128xf32, #tpu.memory_space<vmem>> -> memref<128x128xf32, #tpu.memory_space<vmem>>
            %gather3A_703 = tpu.vector_load_idx %gather3A_702[%add3A_556, %add3A_698] : memref<128x128xf32, #tpu.memory_space<vmem>>[vector<16xi32>, vector<16xi32>], vector<16xf32>,
            %scatter3A_704 = arith.constant 0 : i32
            %scatter3A_705 = arith.constant 0 : i32
            %scatter3A_706 = tpu.memref_slice %arg7[%scan3A_529, %scatter3A_704, %scatter3A_705] : memref<3x64x128xf32, #tpu.memory_space<vmem>> -> memref<1x64x128xf32, #tpu.memory_space<vmem>>
            %scatter3A_707 = tpu.memref_squeeze %scatter3A_706 : memref<1x64x128xf32, #tpu.memory_space<vmem>> -> memref<64x128xf32, #tpu.memory_space<vmem>>
            tpu.vector_store_idx %scatter3A_707[%add3A_698, %add3A_556], %gather3A_703 : memref<64x128xf32, #tpu.memory_space<vmem>>[vector<16xi32>, vector<16xi32>], vector<16xf32>,
            %add3A_708 = vector.broadcast %add3A_566 : i32 to vector<16xi32>
            %add3A_709 = arith.addi %select_n3A_345, %add3A_708 : vector<16xi32>
            %gather3A_710 = arith.constant 0 : i32
            %gather3A_711 = arith.constant 0 : i32
            %gather3A_712 = tpu.memref_slice %arg6[%scan3A_528, %gather3A_710, %gather3A_711] : memref<3x128x128xf32, #tpu.memory_space<vmem>> -> memref<1x128x128xf32, #tpu.memory_space<vmem>>
            %gather3A_713 = tpu.memref_squeeze %gather3A_712 : memref<1x128x128xf32, #tpu.memory_space<vmem>> -> memref<128x128xf32, #tpu.memory_space<vmem>>
            %gather3A_714 = tpu.vector_load_idx %gather3A_713[%add3A_556, %add3A_709] : memref<128x128xf32, #tpu.memory_space<vmem>>[vector<16xi32>, vector<16xi32>], vector<16xf32>,
            %scatter3A_715 = arith.constant 0 : i32
            %scatter3A_716 = arith.constant 0 : i32
            %scatter3A_717 = tpu.memref_slice %arg7[%scan3A_529, %scatter3A_715, %scatter3A_716] : memref<3x64x128xf32, #tpu.memory_space<vmem>> -> memref<1x64x128xf32, #tpu.memory_space<vmem>>
            %scatter3A_718 = tpu.memref_squeeze %scatter3A_717 : memref<1x64x128xf32, #tpu.memory_space<vmem>> -> memref<64x128xf32, #tpu.memory_space<vmem>>
            tpu.vector_store_idx %scatter3A_718[%add3A_709, %add3A_556], %gather3A_714 : memref<64x128xf32, #tpu.memory_space<vmem>>[vector<16xi32>, vector<16xi32>], vector<16xf32>,
            %add3A_719 = vector.broadcast %add3A_566 : i32 to vector<16xi32>
            %add3A_720 = arith.addi %select_n3A_370, %add3A_719 : vector<16xi32>
            %gather3A_721 = arith.constant 0 : i32
            %gather3A_722 = arith.constant 0 : i32
            %gather3A_723 = tpu.memref_slice %arg6[%scan3A_528, %gather3A_721, %gather3A_722] : memref<3x128x128xf32, #tpu.memory_space<vmem>> -> memref<1x128x128xf32, #tpu.memory_space<vmem>>
            %gather3A_724 = tpu.memref_squeeze %gather3A_723 : memref<1x128x128xf32, #tpu.memory_space<vmem>> -> memref<128x128xf32, #tpu.memory_space<vmem>>
            %gather3A_725 = tpu.vector_load_idx %gather3A_724[%add3A_556, %add3A_720] : memref<128x128xf32, #tpu.memory_space<vmem>>[vector<16xi32>, vector<16xi32>], vector<16xf32>,
            %scatter3A_726 = arith.constant 0 : i32
            %scatter3A_727 = arith.constant 0 : i32
            %scatter3A_728 = tpu.memref_slice %arg7[%scan3A_529, %scatter3A_726, %scatter3A_727] : memref<3x64x128xf32, #tpu.memory_space<vmem>> -> memref<1x64x128xf32, #tpu.memory_space<vmem>>
            %scatter3A_729 = tpu.memref_squeeze %scatter3A_728 : memref<1x64x128xf32, #tpu.memory_space<vmem>> -> memref<64x128xf32, #tpu.memory_space<vmem>>
            tpu.vector_store_idx %scatter3A_729[%add3A_720, %add3A_556], %gather3A_725 : memref<64x128xf32, #tpu.memory_space<vmem>>[vector<16xi32>, vector<16xi32>], vector<16xf32>,
            %add3A_730 = vector.broadcast %add3A_566 : i32 to vector<16xi32>
            %add3A_731 = arith.addi %select_n3A_395, %add3A_730 : vector<16xi32>
            %gather3A_732 = arith.constant 0 : i32
            %gather3A_733 = arith.constant 0 : i32
            %gather3A_734 = tpu.memref_slice %arg6[%scan3A_528, %gather3A_732, %gather3A_733] : memref<3x128x128xf32, #tpu.memory_space<vmem>> -> memref<1x128x128xf32, #tpu.memory_space<vmem>>
            %gather3A_735 = tpu.memref_squeeze %gather3A_734 : memref<1x128x128xf32, #tpu.memory_space<vmem>> -> memref<128x128xf32, #tpu.memory_space<vmem>>
            %gather3A_736 = tpu.vector_load_idx %gather3A_735[%add3A_556, %add3A_731] : memref<128x128xf32, #tpu.memory_space<vmem>>[vector<16xi32>, vector<16xi32>], vector<16xf32>,
            %scatter3A_737 = arith.constant 0 : i32
            %scatter3A_738 = arith.constant 0 : i32
            %scatter3A_739 = tpu.memref_slice %arg7[%scan3A_529, %scatter3A_737, %scatter3A_738] : memref<3x64x128xf32, #tpu.memory_space<vmem>> -> memref<1x64x128xf32, #tpu.memory_space<vmem>>
            %scatter3A_740 = tpu.memref_squeeze %scatter3A_739 : memref<1x64x128xf32, #tpu.memory_space<vmem>> -> memref<64x128xf32, #tpu.memory_space<vmem>>
            tpu.vector_store_idx %scatter3A_740[%add3A_731, %add3A_556], %gather3A_736 : memref<64x128xf32, #tpu.memory_space<vmem>>[vector<16xi32>, vector<16xi32>], vector<16xf32>,
          }
          %scan3A_561 = arith.constant 4 : i32
        }
        %scan3A_534 = arith.constant 8 : i32
        %dma_start3A_535 = arith.constant 2 : i32
        %dma_start3A_536 = arith.constant 0 : i32
        %dma_start3A_537 = arith.constant 0 : i32
        %dma_start3A_538 = tpu.memref_slice %arg7[%dma_start3A_535, %dma_start3A_536, %dma_start3A_537] : memref<3x64x128xf32, #tpu.memory_space<vmem>> -> memref<1x64x128xf32, #tpu.memory_space<vmem>>
        %dma_start3A_539 = tpu.memref_squeeze %dma_start3A_538 : memref<1x64x128xf32, #tpu.memory_space<vmem>> -> memref<64x128xf32, #tpu.memory_space<vmem>>
        %dma_start3A_540 = arith.constant 0 : i32
        %dma_start3A_541 = tpu.memref_slice %arg4[%add3A_492, %dma_start3A_540, %mul3A_2] : memref<50x64x4096xf32, #tpu.memory_space<hbm>> -> memref<1x64x128xf32, #tpu.memory_space<hbm>>
        %dma_start3A_542 = tpu.memref_squeeze %dma_start3A_541 : memref<1x64x128xf32, #tpu.memory_space<hbm>> -> memref<64x128xf32, #tpu.memory_space<hbm>>
        %dma_start3A_543 = arith.constant 0 : i32
        %dma_start3A_544 = tpu.memref_slice %arg4[%add3A_492, %dma_start3A_543, %mul3A_2] : memref<50x64x4096xf32, #tpu.memory_space<hbm>> -> memref<1x64x128xf32, #tpu.memory_space<hbm>>
        %dma_start3A_545 = tpu.memref_squeeze %dma_start3A_544 : memref<1x64x128xf32, #tpu.memory_space<hbm>> -> memref<64x128xf32, #tpu.memory_space<hbm>>
        %dma_start3A_546 = arith.constant 0 : i32
        %dma_start3A_547 = arith.constant 0 : i32
        %dma_start3A_548 = tpu.memref_slice %arg7[%dma_start3A_535, %dma_start3A_546, %dma_start3A_547] : memref<3x64x128xf32, #tpu.memory_space<vmem>> -> memref<1x64x128xf32, #tpu.memory_space<vmem>>
        %dma_start3A_549 = tpu.memref_squeeze %dma_start3A_548 : memref<1x64x128xf32, #tpu.memory_space<vmem>> -> memref<64x128xf32, #tpu.memory_space<vmem>>
        tpu.enqueue_dma source(%dma_start3A_549 : memref<64x128xf32, #tpu.memory_space<vmem>>) target(%dma_start3A_545 : memref<64x128xf32, #tpu.memory_space<hbm>>) target_semaphore(%arg13 : memref<!tpu.dma_semaphore, #tpu.memory_space<semaphore_mem>>)
      } else {
      }
    }
    %scan3A_422 = arith.constant 17 : i32
    %dma_wait3A = arith.constant 1 : i32
    %dma_wait3A_423 = arith.constant 49 : i32
    %dma_wait3A_424 = arith.constant 0 : i32
    %dma_wait3A_425 = arith.constant 0 : i32
    %dma_wait3A_426 = tpu.memref_slice %arg7[%dma_wait3A, %dma_wait3A_424, %dma_wait3A_425] : memref<3x64x128xf32, #tpu.memory_space<vmem>> -> memref<1x64x128xf32, #tpu.memory_space<vmem>>
    %dma_wait3A_427 = tpu.memref_squeeze %dma_wait3A_426 : memref<1x64x128xf32, #tpu.memory_space<vmem>> -> memref<64x128xf32, #tpu.memory_space<vmem>>
    %dma_wait3A_428 = arith.constant 0 : i32
    %dma_wait3A_429 = tpu.memref_slice %arg4[%dma_wait3A_423, %dma_wait3A_428, %mul3A_2] : memref<50x64x4096xf32, #tpu.memory_space<hbm>> -> memref<1x64x128xf32, #tpu.memory_space<hbm>>
    %dma_wait3A_430 = tpu.memref_squeeze %dma_wait3A_429 : memref<1x64x128xf32, #tpu.memory_space<hbm>> -> memref<64x128xf32, #tpu.memory_space<hbm>>
    %dma_wait3A_431 = arith.constant 0 : i32
    %dma_wait3A_432 = tpu.memref_slice %arg4[%dma_wait3A_423, %dma_wait3A_431, %mul3A_2] : memref<50x64x4096xf32, #tpu.memory_space<hbm>> -> memref<1x64x128xf32, #tpu.memory_space<hbm>>
    %dma_wait3A_433 = tpu.memref_squeeze %dma_wait3A_432 : memref<1x64x128xf32, #tpu.memory_space<hbm>> -> memref<64x128xf32, #tpu.memory_space<hbm>>
    %dma_wait3A_434 = arith.constant 0 : i32
    %dma_wait3A_435 = arith.constant 0 : i32
    %dma_wait3A_436 = tpu.memref_slice %arg7[%dma_wait3A, %dma_wait3A_434, %dma_wait3A_435] : memref<3x64x128xf32, #tpu.memory_space<vmem>> -> memref<1x64x128xf32, #tpu.memory_space<vmem>>
    %dma_wait3A_437 = tpu.memref_squeeze %dma_wait3A_436 : memref<1x64x128xf32, #tpu.memory_space<vmem>> -> memref<64x128xf32, #tpu.memory_space<vmem>>
    tpu.wait_dma2 semaphore(%arg12 : memref<!tpu.dma_semaphore, #tpu.memory_space<semaphore_mem>>) src(%dma_wait3A_437 : memref<64x128xf32, #tpu.memory_space<vmem>>) dst(%dma_wait3A_433 : memref<64x128xf32, #tpu.memory_space<hbm>>)
    return
  }
}

</mosaic_0001>

<sc_bundles>
// kernel: kernel.3.cloned.1.call-start
scs
__scs_entry_jumppad:
0x0: {  	(pc) =	sbr.rel $0x88, $3  }
0x1: {  	(tag) =	ssettag $0x0;
	lr =	simm.s32 $0x1  }
0x2: {  	[smem:$0x3F9F] =	sst lr;
	_ =	strace $0xD0000000  }
0x3: {  	_ = 	snop  }
0x4: {  	_ = 	snop  }
0x5: {  	_ = 	snop  }
0x6: {  	_ = 	snop  }
0x7: {  	_ = 	snop  }
__scs_overlays_trampoline_lowered:
0x8: {  	[smem:$0x3FAE] =	sst s0  }
0x9: {  	[smem:$0x3FAF] =	sst s1  }
0xa: {  	[smem:$0x3FB0] =	sst s2  }
0xb: {  	[smem:$0x3FB1] =	sst s3  }
0xc: {  	[smem:$0x3FB2] =	sst s4  }
0xd: {  	[smem:$0x3FB3] =	sst s5  }
0xe: {  	[smem:$0x3FB4] =	sst s6  }
0xf: {  	[smem:$0x3FB5] =	sst s7  }
0x10: {  	[smem:$0x3FB6] =	sst s8  }
0x11: {  	[smem:$0x3FB7] =	sst s9;
	s0 =	simm.s32 @!p0 $0x0  }
0x12: {  	s1 =	sld [smem:$0x3F9D];
	s0 =	simm.s32 @p0 $0x1  }
0x13: {  	[smem:$0x3FB8] =	sst s0;
	s0 =	simm.s32 @!p1 $0x0  }
0x14: {  	s2 =	sld [smem:$0x3F9C];
	s0 =	simm.s32 @p1 $0x1  }
0x15: {  	[smem:$0x3FB9] =	sst s0;
	s0 =	simm.s32 @!p2 $0x0  }
0x16: {  	s3 =	sld [smem:$0x3FDB];
	s0 =	simm.s32 @p2 $0x1  }
0x17: {  	s4 =	simm.s32 $0x1BF5;
	[smem:$0x3FBB] =	sst s0  }
0x18: {  	s0 =	sld [smem:$0x3F9E];
	_ =	swait.ge [sflag:s4], $0x0  }
0x19: {  	s7 =	sld [smem:$0x3F9F]  }
0x1a: {  	s8 =	sadd.s32 $0xFFFFE003, lr  }
0x1b: {  	s9 =	sadd.s32 $0xFFFFFEF7, lr;
	s5 =	simm.s32 $0xFFFFFFFF;
	p2 =	slt.u32 s8, $0xFFFFF086  }
0x1c: {  	p1 =	slt.u32 s9, $0xF7A;
	s5 =	simm.s32 @!p2 $0x0  }
0x1d: {  	s5 =	simm.s32 @p1 $0x1;
	p0 =	seq.s32 s7, s2  }
0x1e: {  	s7 =	smul.u32 @!p0 $0xF7A, s2;
	p2 =	seq.s32 @!p0 s5, $0x0  }
0x1f: {  	s9 =	smul.u32 $0xF7A, s1;
	s8 =	simm.s32 @!p0 $0x1BF5;
	p2 =	por !p2, p0  }
0x20: {  	[sflag:s8] =	ssyncset.s32 @!p0 $0xFFFFF086;
	s6 =	sadd.s32 @!p0 s3, s7;
	s7 =	simm.s32 @!p0 $0x108  }
0x21: {  	s3 =	sadd.s32 s3, s9;
	s6 =	sadd.s32 @!p0 $0x88, s6;
	s7 =	simm.s32 @p2 $0x1082  }
0x22: {  	[simem:s7], [sflag:s8] =	dma.local @!p0 [hbm:s6], $0xF7A  }
0x23: {  	s9 =	sor.u32 $0xD0000000, s2;
	s6 =	simm.s32 $0x108;
	_ =	swait.ge @!p0 [sflag:s8], $0x0  }
0x24: {  	s3 =	sadd.s32 $0x88, s3;
	s6 =	simm.s32 @!p1 $0x1082;
	[sflag:s4] =	ssyncset.s32 $0xFFFFF086  }
0x25: {  	[simem:s6], [sflag:s4] =	dma.local [hbm:s3], $0xF7A  }
0x26: {  	[smem:$0x3F9F] =	sst s1;
	(tag) =	ssettag s2;
	_ =	strace s9  }
0x27: {  	s1 =	sld [smem:$0x3FAF]  }
0x28: {  	s2 =	sld [smem:$0x3FB0]  }
0x29: {  	s4 =	sld [smem:$0x3FB2]  }
0x2a: {  	p0 =	seq.s32 s5, $0x0;
	s5 =	sld [smem:$0x3FB3]  }
0x2b: {  	s6 =	sld [smem:$0x3FB4]  }
0x2c: {  	s7 =	sld [smem:$0x3FB5]  }
0x2d: {  	s3 =	simm.s32 $0x108;
	s8 =	sld [smem:$0x3FB6]  }
0x2e: {  	s3 =	simm.s32 @!p0 $0x1082;
	s9 =	sld [smem:$0x3FB7]  }
0x2f: {  	lr =	sadd.s32 s0, s3;
	s0 =	sld [smem:$0x3FAE]  }
0x30: {  	s3 =	sld [smem:$0x3FB1]  }
0x31: {  	[smem:$0x3FBA] =	sst s10  }
0x32: {  	s10 =	sld [smem:$0x3FB8];
	_ =	sdelay $0x3  }
0x33: {  	p0 =	seq.s32 s10, $0x1;
	s10 =	sld [smem:$0x3FBA];
	_ =	sdelay $0x3  }
0x34: {  	[smem:$0x3FBA] =	sst s10  }
0x35: {  	s10 =	sld [smem:$0x3FB9];
	_ =	sdelay $0x3  }
0x36: {  	p1 =	seq.s32 s10, $0x1;
	s10 =	sld [smem:$0x3FBA];
	_ =	sdelay $0x3  }
0x37: {  	[smem:$0x3FBA] =	sst s10  }
0x38: {  	s10 =	sld [smem:$0x3FBB]  }
0x39: {  	_ = 	snop;
	(pc) =	sbr.ind lr, $3  }
0x3a: {  	_ = 	snop  }
0x3b: {  	_ = 	snop  }
0x3c: {  	p2 =	seq.s32 s10, $0x1;
	s10 =	sld [smem:$0x3FBA]  }
0x3d: {  	_ =	shalt  }
0x3e: {  	_ =	shalt  }
0x3f: {  	_ =	shalt  }
0x40: {  	_ =	shalt  }
0x41: {  	_ =	shalt  }
0x42: {  	_ =	shalt  }
0x43: {  	_ =	shalt  }
0x44: {  	_ =	shalt  }
0x45: {  	_ =	shalt  }
0x46: {  	_ =	shalt  }
0x47: {  	_ =	shalt  }
0x48: {  	_ =	shalt  }
0x49: {  	_ =	shalt  }
0x4a: {  	_ =	shalt  }
0x4b: {  	_ =	shalt  }
0x4c: {  	_ =	shalt  }
0x4d: {  	_ =	shalt  }
0x4e: {  	_ =	shalt  }
0x4f: {  	_ =	shalt  }
0x50: {  	_ =	shalt  }
0x51: {  	_ =	shalt  }
0x52: {  	_ =	shalt  }
0x53: {  	_ =	shalt  }
0x54: {  	_ =	shalt  }
0x55: {  	_ =	shalt  }
0x56: {  	_ =	shalt  }
0x57: {  	_ =	shalt  }
0x58: {  	_ =	shalt  }
0x59: {  	_ =	shalt  }
0x5a: {  	_ =	shalt  }
0x5b: {  	_ =	shalt  }
0x5c: {  	_ =	shalt  }
0x5d: {  	_ =	shalt  }
0x5e: {  	_ =	shalt  }
0x5f: {  	_ =	shalt  }
0x60: {  	_ =	shalt  }
0x61: {  	_ =	shalt  }
0x62: {  	_ =	shalt  }
0x63: {  	_ =	shalt  }
0x64: {  	_ =	shalt  }
0x65: {  	_ =	shalt  }
0x66: {  	_ =	shalt  }
0x67: {  	_ =	shalt  }
0x68: {  	_ =	shalt  }
0x69: {  	_ =	shalt  }
0x6a: {  	_ =	shalt  }
0x6b: {  	_ =	shalt  }
0x6c: {  	_ =	shalt  }
0x6d: {  	_ =	shalt  }
0x6e: {  	_ =	shalt  }
0x6f: {  	_ =	shalt  }
0x70: {  	_ =	shalt  }
0x71: {  	_ =	shalt  }
0x72: {  	_ =	shalt  }
0x73: {  	_ =	shalt  }
0x74: {  	_ =	shalt  }
0x75: {  	_ =	shalt  }
0x76: {  	_ =	shalt  }
0x77: {  	_ =	shalt  }
0x78: {  	_ =	shalt  }
0x79: {  	_ =	shalt  }
0x7a: {  	_ =	shalt  }
0x7b: {  	_ =	shalt  }
0x7c: {  	_ =	shalt  }
0x7d: {  	_ =	shalt  }
0x7e: {  	_ =	shalt  }
0x7f: {  	_ =	shalt  }
0x80: {  	_ =	shalt  }
0x81: {  	_ =	shalt  }
0x82: {  	_ =	shalt  }
0x83: {  	_ =	shalt  }
0x84: {  	_ =	shalt  }
0x85: {  	_ =	shalt  }
0x86: {  	_ =	shalt  }
0x87: {  	_ =	shalt  }
.Lfunc_end0:
.L_simem_size_0:
called_computation_lowered:
.L_overlay_start_0:
0x88: {  	s2 =	sld [smem:$0x3FD9]  }
0x89: {  	s3 =	sld [smem:$0x3FFE];
	_ =	sdelay $0x1  }
0x8a: {  	s1 =	srdreg.scid  }
0x8b: {  	s0 =	sand.u32 $0x1, s1  }
0x8c: {  	s17 =	sshll.u32 s0, $0xA;
	s2 =	sadd.s32 s3, s2  }
0x8d: {  	s2 =	sadd.s32 s2, s17  }
0x8e: {  	[smem:$0x3FC6] =	sst s2  }
0x8f: {  	_ = 	snop  }
0x90: {  	s2 =	sld [smem:$0x3FD0];
	(tm) =	ssettm $0x1  }
0x91: {  	s18 =	sld [smem:$0x3FFB];
	_ =	sdelay $0x3  }
0x92: {  	_ =	strace s18  }
0x93: {  	s3 =	sld [smem:$0x3FFC];
	_ =	sdelay $0x3  }
0x94: {  	_ =	strace s3  }
0x95: {  	s3 =	sld [smem:$0x3FFD];
	_ =	sdelay $0x3  }
0x96: {  	_ =	strace s3  }
0x97: {  	_ =	strace $0x8FFFFFFF  }
0x98: {  	s19 =	sld [smem:$0x3FDB];
	_ =	sdelay $0x1  }
0x99: {  	s4 =	simm.s32 $_scs_section_size  }
0x9a: {  	s5 =	simm.s32 $_size__tile_overlayer_lowered;
	s6 =	simm.s32 $_tile_overlayer_lowered  }
0x9b: {  	s22 =	simm.s32 $0x1BFF;
	s21 =	sshll.u32 s6, $0x1;
	s3 =	sadd.s32 s4, s19  }
0x9c: {  	s7 =	simm.s32 $0x0;
	s20 =	sshll.u32 s5, $0x1;
	s5 =	sadd.s32 s21, s3  }
0x9d: {  	[timem:s7], [sflag:s22] =	dma.local [hbm:s5], s20  }
0x9e: {  	_ =	swait.ge [sflag:s22], s20  }
0x9f: {  	s4 =	ssub.s32 $0x0, s20;
	[sflag:s22] =	ssyncset.done $0x0  }
0xa0: {  	[sflag:s22] =	ssyncadd.s32 s4;
	_ =	sdelay $0x1  }
0xa1: {  	s23 =	simm.s32 $0x1B8B  }
0xa2: {  	_ =	swait.ge [sflag:s23], $0x1  }
0xa3: {  	[sflag:s23] =	ssyncset.done $0x0  }
0xa4: {  	s25 =	simm.s32 $0x1B8E;
	s24 =	sld [smem:$0x3FFE];
	[sflag:s23] =	ssyncadd.s32 $0xFFFFFFFF  }
0xa5: {  	s26 =	simm.s32 $execute0_lowered;
	[smem:$0x3FD2] =	sst s25  }
0xa6: {  	s5 =	sshll.u32 s26, $0x1;
	_ =	strace $0x80000046;
	[dreg:$0x1] =	wrdreg $0xFFFFFFFF  }
0xa7: {  	s28 =	simm.s32 $_size_execute0_lowered;
	s3 =	sadd.s32 s3, s5;
	[dreg:$0x0] =	wrdreg $0x0  }
0xa8: {  	s5 =	sshll.u32 s28, $0x1;
	[dreg:$0x2] =	wrdreg s3  }
0xa9: {  	[dreg:$0x3] =	wrdreg s5  }
0xaa: {  	[dreg:$0x4] =	wrdreg $0xC0  }
0xab: {  	_ =	task [dreg:s7], $0x5FFFF  }
0xac: {  	[dreg:$0x1] =	wrdreg $0xFFFFFFFF  }
0xad: {  	[dreg:$0x0] =	wrdreg $0x60  }
0xae: {  	[dreg:$0x2] =	wrdreg s24  }
0xaf: {  	[dreg:$0x3] =	wrdreg s2  }
0xb0: {  	[dreg:$0x4] =	wrdreg $0x9  }
0xb1: {  	_ =	task.clear_ibuf [dreg:s7], $0x5FFFF;
	_ =	strace $0x90000046  }
0xb2: {  	s29 =	simm.s32 $0x9;
	_ =	strace $0x80000048  }
0xb3: {  	_ =	swait.ge [sflag:s29], $0x1  }
0xb4: {  	[sflag:s29] =	ssyncadd.s32 $0xFFFFFFFF  }
0xb5: {  	_ =	strace $0x90000048  }
0xb6: {  	_ =	sfence  }
0xb7: {  	s30 =	sld [smem:$0x0];
	_ =	sdelay $0x2  }
0xb8: {  	s31 =	sshll.u32 s1, $0xD;
	s1 =	sshrl.u32 s1, $0x2  }
0xb9: {  	s3 =	sand.u32 $0x4000, s31;
	s1 =	sadd.s32 s1, s30  }
0xba: {  	s0 =	sor.u32 s3, s0;
	s1 =	sshll.u32 s1, $0x11  }
0xbb: {  	s0 =	sor.u32 s1, s0  }
0xbc: {  	s0 =	sadd.s32 $0x8F2B, s0  }
0xbd: {  	[sflag:s0] =	ssyncadd.remote.s32 $0x1  }
0xbe: {  	_ =	sfence.sel $0xFFFF  }
0xbf: {  	[dreg:$0x0] =	wrdreg $0xFFFFFFFF;
	(pc) =	sbr.abs _section_cstart, $3  }
0xc0: {  	[dreg:$0x1] =	wrdreg $0xFFFFFFFF  }
0xc1: {  	_ =	task.clear_ibuf [dreg:s7], $0x2FFFF;
	_ =	strace $0x9FFFFFFF  }
0xc2: {  	(tm) =	ssettm $0x7FFFFFFF  }
0xc3: {  	_ =	shalt  }
tec
execute0_lowered:
.L_overlay_start_1:
0x0: {  	(tag) =	ssettag $0x1  }
0x1: {  	v0 =	vimm.s32 $0xFEDCBA9;
	v1 =	vimm.s32 $0x87654321  }
0x2: {  	v2 =	vimm.s32 $0x10FEDCBA;
	v3 =	vimm.s32 $0x98765432;
	v4 =	vimm.s32 $0x210FEDCB  }
0x3: {  	v5 =	vimm.s32 $0xA9876543;
	v8 =	vimm.s32 $0x3210FEDC;
	v9 =	vimm.s32 $0xBA987654  }
0x4: {  	v15 =	vimm.s32 $0x543210FE;
	v18 =	vimm.s32 $0x6543210F;
	v19 =	vimm.s32 $0xEDCBA987  }
0x5: {  	v20 =	vimm.s32 $0xFEDCBA98;
	vm14 =	vcmask $0x300;
	vm13 =	vcmask $0x704  }
0x6: {  	vm12 =	vcmask $0xB08;
	vm11 =	vcmask $0xF0C;
	vm10 =	vcmask $0x1310  }
0x7: {  	vm9 =	vcmask $0x1714;
	vm8 =	vcmask $0x1B18;
	vm3 =	vcmask $0x1F1C  }
0x8: {  	vm0 =	vcmask $0x2320;
	vm1 =	vcmask $0x2724;
	vm2 =	vcmask $0x2B28  }
0x9: {  	vm4 =	vcmask $0x2F2C;
	vm5 =	vcmask $0x3330;
	vm6 =	vcmask $0x3734  }
0xa: {  	vm7 =	vcmask $0x3B38;
	v25 =	vimm.s32 $0x280;
	v26 =	vimm.s32 $0x200  }
0xb: {  	v27 =	vimm.s32 $0x180;
	v28 =	vimm.s32 $0x100;
	v29 =	vimm.s32 $0x80  }
0xc: {  	v30 =	vimm.s32 $0x0;
	v0 =	vunpack.c.l.s4.s8 v0;
	v1 =	vunpack.c.l.s4.s8 v1  }
0xd: {  	v2 =	vunpack.c.l.s4.s8 v2;
	v3 =	vunpack.c.l.s4.s8 v3;
	v4 =	vunpack.c.l.s4.s8 v4  }
0xe: {  	v5 =	vunpack.c.l.s4.s8 v5;
	v8 =	vunpack.c.l.s4.s8 v8;
	v15 =	vunpack.c.l.s4.s8 v15  }
0xf: {  	v18 =	vunpack.c.l.s4.s8 v18;
	v19 =	vunpack.c.l.s4.s8 v19;
	v20 =	vunpack.c.l.s4.s8 v20  }
0x10: {  	v25 =	vsel vm14, $0x300, v25;
	v26 =	vsel vm14, $0x280, v26;
	v27 =	vsel vm14, $0x200, v27  }
0x11: {  	v28 =	vsel vm14, $0x180, v28;
	v29 =	vsel vm14, $0x100, v29;
	v30 =	vsel vm14, $0x80, v30  }
0x12: {  	v25 =	vsel vm13, $0x380, v25;
	v26 =	vsel vm13, $0x300, v26;
	v27 =	vsel vm13, $0x280, v27  }
0x13: {  	v28 =	vsel vm13, $0x200, v28;
	v29 =	vsel vm13, $0x180, v29;
	v30 =	vsel vm13, $0x100, v30  }
0x14: {  	v6 =	vunpack.c.0.s8.s32 v0;
	v7 =	vunpack.c.0.s8.s32 v1;
	v0 =	vlaneseq.u32  }
0x15: {  	v10 =	vunpack.c.0.s8.s32 v2;
	v11 =	vunpack.c.0.s8.s32 v3;
	v2 =	vunpack.c.l.s4.s8 v9  }
0x16: {  	v9 =	vunpack.c.0.s8.s32 v4;
	v12 =	vunpack.c.0.s8.s32 v5;
	v13 =	vunpack.c.0.s8.s32 v8  }
0x17: {  	v3 =	vimm.s32 $0xCBA98765;
	v15 =	vunpack.c.0.s8.s32 v15;
	v18 =	vunpack.c.0.s8.s32 v18  }
0x18: {  	v19 =	vunpack.c.0.s8.s32 v19;
	v20 =	vunpack.c.0.s8.s32 v20;
	v25 =	vsel vm12, $0x400, v25  }
0x19: {  	v26 =	vsel vm12, $0x380, v26;
	v27 =	vsel vm12, $0x300, v27;
	v28 =	vsel vm12, $0x280, v28  }
0x1a: {  	v29 =	vsel vm12, $0x200, v29;
	v30 =	vsel vm12, $0x180, v30;
	v3 =	vunpack.c.l.s4.s8 v3  }
0x1b: {  	v25 =	vsel vm11, $0x480, v25;
	v26 =	vsel vm11, $0x400, v26;
	v27 =	vsel vm11, $0x380, v27  }
0x1c: {  	v28 =	vsel vm11, $0x300, v28;
	v29 =	vsel vm11, $0x280, v29;
	v30 =	vsel vm11, $0x200, v30  }
0x1d: {  	v31 =	vmul.u32 $0x80, v0;
	v1 =	vcombine.low v7, v6;
	v14 =	vunpack.c.0.s8.s32 v2  }
0x1e: {  	v2 =	vimm.s32 $0x43210FED;
	v4 =	vcombine.low v11, v10;
	v5 =	vcombine.low v12, v9  }
0x1f: {  	v23 =	vcombine.low v19, v18;
	v24 =	vcombine.low v6, v7;
	v20 =	vand.u32 $0xF, v20  }
0x20: {  	v10 =	vcombine.low v10, v11;
	v11 =	vcombine.low v9, v12;
	v25 =	vsel vm10, $0x500, v25  }
0x21: {  	v26 =	vsel vm10, $0x480, v26;
	v27 =	vsel vm10, $0x400, v27;
	v28 =	vsel vm10, $0x380, v28  }
0x22: {  	v29 =	vsel vm10, $0x300, v29;
	v30 =	vsel vm10, $0x280, v30;
	v2 =	vunpack.c.l.s4.s8 v2  }
0x23: {  	v17 =	vunpack.c.0.s8.s32 v3;
	v25 =	vsel vm9, $0x580, v25;
	v26 =	vsel vm9, $0x500, v26  }
0x24: {  	v27 =	vsel vm9, $0x480, v27;
	v28 =	vsel vm9, $0x400, v28;
	v29 =	vsel vm9, $0x380, v29  }
0x25: {  	v30 =	vsel vm9, $0x300, v30;
	v1 =	vand.u32 $0xF, v1;
	v8 =	vcombine.low v14, v13  }
0x26: {  	v3 =	vand.u32 $0xF, v5;
	v7 =	vand.u32 $0xF, v23;
	v9 =	vand.u32 $0xF, v24  }
0x27: {  	v10 =	vand.u32 $0xF, v10;
	v11 =	vand.u32 $0xF, v11;
	v12 =	vcombine.low v13, v14  }
0x28: {  	v13 =	vimm.s32 $0x700;
	v23 =	vimm.s32 $0x380;
	v24 =	vimm.s32 $0x300  }
0x29: {  	v25 =	vsel vm8, $0x600, v25;
	v26 =	vsel vm8, $0x580, v26;
	v27 =	vsel vm8, $0x500, v27  }
0x2a: {  	v28 =	vsel vm8, $0x480, v28;
	v29 =	vsel vm8, $0x400, v29;
	v30 =	vsel vm8, $0x380, v30  }
0x2b: {  	v16 =	vunpack.c.0.s8.s32 v2;
	v2 =	vand.u32 $0xF, v4;
	v13 =	vsel vm14, $0x780, v13  }
0x2c: {  	v23 =	vsel vm14, $0x400, v23;
	v24 =	vsel vm14, $0x380, v24;
	v25 =	vsel vm3, $0x680, v25  }
0x2d: {  	v26 =	vsel vm3, $0x600, v26;
	v27 =	vsel vm3, $0x580, v27;
	v28 =	vsel vm3, $0x500, v28  }
0x2e: {  	v29 =	vsel vm3, $0x480, v29;
	v30 =	vsel vm3, $0x400, v30;
	v4 =	vand.u32 $0xF, v8  }
0x2f: {  	v8 =	vimm.s32 $0xDCBA9876;
	v12 =	vand.u32 $0xF, v12;
	v23 =	vsel vm13, $0x480, v23  }
0x30: {  	v24 =	vsel vm13, $0x400, v24;
	v25 =	vsel vm0, $0x700, v25;
	v26 =	vsel vm0, $0x680, v26  }
0x31: {  	v27 =	vsel vm0, $0x600, v27;
	v28 =	vsel vm0, $0x580, v28;
	v29 =	vsel vm0, $0x500, v29  }
0x32: {  	v30 =	vsel vm0, $0x480, v30;
	v5 =	vcombine.low v17, v16;
	v8 =	vunpack.c.l.s4.s8 v8  }
0x33: {  	v14 =	vcombine.low v16, v17;
	v16 =	vsel vm13, $0x0, v13;
	v23 =	vsel vm12, $0x500, v23  }
0x34: {  	v24 =	vsel vm12, $0x480, v24;
	v25 =	vsel vm1, $0x780, v25;
	v26 =	vsel vm1, $0x700, v26  }
0x35: {  	v27 =	vsel vm1, $0x680, v27;
	v28 =	vsel vm1, $0x600, v28;
	v29 =	vsel vm1, $0x580, v29  }
0x36: {  	v30 =	vsel vm1, $0x500, v30;
	v23 =	vsel vm11, $0x580, v23;
	v24 =	vsel vm11, $0x500, v24  }
0x37: {  	v25 =	vsel vm2, $0x0, v25;
	v26 =	vsel vm2, $0x780, v26;
	v27 =	vsel vm2, $0x700, v27  }
0x38: {  	v28 =	vsel vm2, $0x680, v28;
	v29 =	vsel vm2, $0x600, v29;
	v30 =	vsel vm2, $0x580, v30  }
0x39: {  	v21 =	vunpack.c.0.s8.s32 v8;
	v8 =	vimm.s32 $0x76543210;
	v5 =	vand.u32 $0xF, v5  }
0x3a: {  	v13 =	vand.u32 $0xF, v14;
	v14 =	vsel vm12, $0x80, v16;
	v16 =	vcombine.low v18, v19  }
0x3b: {  	v18 =	vimm.s32 $0x600;
	v19 =	vimm.s32 $0x580;
	v23 =	vsel vm10, $0x600, v23  }
0x3c: {  	v24 =	vsel vm10, $0x580, v24;
	v25 =	vsel vm4, $0x80, v25;
	v26 =	vsel vm4, $0x0, v26  }
0x3d: {  	v27 =	vsel vm4, $0x780, v27;
	v28 =	vsel vm4, $0x700, v28;
	v29 =	vsel vm4, $0x680, v29  }
0x3e: {  	v30 =	vsel vm4, $0x600, v30;
	v8 =	vunpack.c.l.s4.s8 v8;
	v14 =	vsel vm11, $0x100, v14  }
0x3f: {  	v18 =	vsel vm14, $0x680, v18;
	v19 =	vsel vm14, $0x600, v19;
	v23 =	vsel vm9, $0x680, v23  }
0x40: {  	v24 =	vsel vm9, $0x600, v24;
	v25 =	vsel vm5, $0x100, v25;
	v26 =	vsel vm5, $0x80, v26  }
0x41: {  	v27 =	vsel vm5, $0x0, v27;
	v28 =	vsel vm5, $0x780, v28;
	v29 =	vsel vm5, $0x700, v29  }
0x42: {  	v30 =	vsel vm5, $0x680, v30;
	v22 =	vcombine.low v21, v15;
	v15 =	vcombine.low v15, v21  }
0x43: {  	v17 =	vsel vm10, $0x180, v14;
	v18 =	vsel vm13, $0x700, v18;
	v21 =	vimm.s32 $0x480  }
0x44: {  	v19 =	vsel vm13, $0x680, v19;
	v23 =	vsel vm8, $0x700, v23;
	v24 =	vsel vm8, $0x680, v24  }
0x45: {  	v25 =	vsel vm6, $0x180, v25;
	v26 =	vsel vm6, $0x100, v26;
	v27 =	vsel vm6, $0x80, v27  }
0x46: {  	v28 =	vsel vm6, $0x0, v28;
	v29 =	vsel vm6, $0x780, v29;
	v30 =	vsel vm6, $0x700, v30  }
0x47: {  	v8 =	vunpack.c.0.s8.s32 v8;
	v17 =	vsel vm9, $0x200, v17;
	v18 =	vsel vm12, $0x780, v18  }
0x48: {  	v21 =	vsel vm14, $0x500, v21;
	v19 =	vsel vm12, $0x700, v19;
	v23 =	vsel vm3, $0x780, v23  }
0x49: {  	v24 =	vsel vm3, $0x700, v24;
	v25 =	vsel vm7, $0x200, v25;
	v26 =	vsel vm7, $0x180, v26  }
0x4a: {  	v27 =	vsel vm7, $0x100, v27;
	v28 =	vsel vm7, $0x80, v28;
	v29 =	vsel vm7, $0x0, v29  }
0x4b: {  	v30 =	vsel vm7, $0x780, v30;
	v6 =	vand.u32 $0xF, v22;
	v14 =	vand.u32 $0xF, v15  }
0x4c: {  	v15 =	vand.u32 $0xF, v16;
	v16 =	vsel vm8, $0x280, v17;
	v17 =	vimm.s32 $0x680  }
0x4d: {  	v18 =	vsel vm11, $0x0, v18;
	v21 =	vsel vm13, $0x580, v21;
	v19 =	vsel vm11, $0x780, v19  }
0x4e: {  	v22 =	vimm.s32 $0x400;
	v23 =	vsel vm0, $0x0, v23;
	v24 =	vsel vm0, $0x780, v24  }
0x4f: {  	v8 =	vcombine.low v20, v8;
	v16 =	vsel vm3, $0x300, v16;
	v17 =	vsel vm14, $0x700, v17  }
0x50: {  	v18 =	vsel vm10, $0x80, v18;
	v20 =	vimm.s32 $0x500;
	v21 =	vsel vm12, $0x600, v21  }
0x51: {  	v19 =	vsel vm10, $0x0, v19;
	v22 =	vsel vm14, $0x480, v22;
	v23 =	vsel vm1, $0x80, v23  }
0x52: {  	v24 =	vsel vm1, $0x0, v24;
	v16 =	vsel vm0, $0x380, v16;
	v17 =	vsel vm13, $0x780, v17  }
0x53: {  	v18 =	vsel vm9, $0x100, v18;
	v20 =	vsel vm14, $0x580, v20;
	v21 =	vsel vm11, $0x680, v21  }
0x54: {  	v19 =	vsel vm9, $0x80, v19;
	v22 =	vsel vm13, $0x500, v22;
	v23 =	vsel vm2, $0x100, v23  }
0x55: {  	v24 =	vsel vm2, $0x80, v24;
	v17 =	vsel vm12, $0x0, v17;
	v16 =	vsel vm1, $0x400, v16  }
0x56: {  	v18 =	vsel vm8, $0x180, v18;
	v20 =	vsel vm13, $0x600, v20;
	v21 =	vsel vm10, $0x700, v21  }
0x57: {  	v19 =	vsel vm8, $0x100, v19;
	v22 =	vsel vm12, $0x580, v22;
	v23 =	vsel vm4, $0x180, v23  }
0x58: {  	v24 =	vsel vm4, $0x100, v24;
	v17 =	vsel vm11, $0x80, v17;
	v16 =	vsel vm2, $0x480, v16  }
0x59: {  	v18 =	vsel vm3, $0x200, v18;
	v20 =	vsel vm12, $0x680, v20;
	v21 =	vsel vm9, $0x780, v21  }
0x5a: {  	v19 =	vsel vm3, $0x180, v19;
	v22 =	vsel vm11, $0x600, v22;
	v23 =	vsel vm5, $0x200, v23  }
0x5b: {  	v24 =	vsel vm5, $0x180, v24;
	v17 =	vsel vm10, $0x100, v17;
	v16 =	vsel vm4, $0x500, v16  }
0x5c: {  	v18 =	vsel vm0, $0x280, v18;
	v20 =	vsel vm11, $0x700, v20;
	v21 =	vsel vm8, $0x0, v21  }
0x5d: {  	v19 =	vsel vm0, $0x200, v19;
	v22 =	vsel vm10, $0x680, v22;
	v23 =	vsel vm6, $0x280, v23  }
0x5e: {  	v24 =	vsel vm6, $0x200, v24;
	v17 =	vsel vm9, $0x180, v17;
	v16 =	vsel vm5, $0x580, v16  }
0x5f: {  	v18 =	vsel vm1, $0x300, v18;
	v20 =	vsel vm10, $0x780, v20;
	v21 =	vsel vm3, $0x80, v21  }
0x60: {  	v19 =	vsel vm1, $0x280, v19;
	v22 =	vsel vm9, $0x700, v22;
	v23 =	vsel vm7, $0x300, v23  }
0x61: {  	v24 =	vsel vm7, $0x280, v24;
	v17 =	vsel vm8, $0x200, v17;
	v18 =	vsel vm2, $0x380, v18  }
0x62: {  	v16 =	vsel vm6, $0x600, v16;
	v20 =	vsel vm9, $0x0, v20;
	v21 =	vsel vm0, $0x100, v21  }
0x63: {  	s0 =	srdreg.scid;
	v19 =	vsel vm2, $0x300, v19;
	v22 =	vsel vm8, $0x780, v22;
	v17 =	vsel vm3, $0x280, v17  }
0x64: {  	s2 =	stileid.u32;
	s1 =	rddreg [dreg:$0x0];
	v18 =	vsel vm4, $0x400, v18;
	v16 =	vsel vm7, $0x680, v16;
	v20 =	vsel vm8, $0x80, v20  }
0x65: {  	s10 =	simm.s32 $0x7;
	s11 =	simm.s32 $0x80;
	s12 =	simm.s32 $0x1C00;
	v21 =	vsel vm1, $0x180, v21;
	v19 =	vsel vm4, $0x380, v19;
	v22 =	vsel vm3, $0x0, v22  }
0x66: {  	s13 =	simm.s32 $0x5C00;
	s14 =	simm.s32 $0x1;
	s15 =	simm.s32 $0xDC00;
	v17 =	vsel vm0, $0x300, v17;
	v18 =	vsel vm5, $0x480, v18;
	v20 =	vsel vm3, $0x100, v20  }
0x67: {  	s16 =	simm.s32 $0x400;
	s17 =	simm.s32 $0x8000;
	s18 =	simm.s32 $0x2;
	v21 =	vsel vm2, $0x200, v21;
	v19 =	vsel vm5, $0x400, v19;
	v22 =	vsel vm0, $0x80, v22  }
0x68: {  	s19 =	simm.s32 $0xFC00;
	s20 =	simm.s32 $0x4;
	s21 =	simm.s32 $0x5;
	v17 =	vsel vm1, $0x380, v17;
	v18 =	vsel vm6, $0x500, v18;
	v20 =	vsel vm0, $0x180, v20  }
0x69: {  	s22 =	simm.s32 $0x3;
	s0 =	sand.u32 $0x1, s0;
	s3 =	sshll.u32 s2, $0x1;
	v21 =	vsel vm4, $0x280, v21;
	v19 =	vsel vm6, $0x480, v19;
	v22 =	vsel vm1, $0x100, v22  }
0x6a: {  	s23 =	simm.s32 $0x9C00;
	s24 =	simm.s32 $0x11C00;
	s8 =	sor.u32 s0, s3;
	v17 =	vsel vm2, $0x400, v17;
	v18 =	vsel vm7, $0x580, v18;
	v20 =	vsel vm1, $0x200, v20  }
0x6b: {  	s25 =	simm.s32 $0x0;
	s2 =	rddreg [dreg:$0x1];
	s4 =	smul.u32 $0x380, s8;
	v21 =	vsel vm5, $0x300, v21;
	v19 =	vsel vm7, $0x500, v19;
	v22 =	vsel vm2, $0x180, v22  }
.Ltmp0:
0x6c: {  	s3 =	simm.s32 $0x0;
	s0 =	ssub.s32 $0x2, s0;
	v17 =	vsel vm4, $0x480, v17;
	v20 =	vsel vm2, $0x280, v20;
	v21 =	vsel vm6, $0x380, v21;
	(pc) =	sbr.rel .LBB2_1-.Ltmp0, $4  }
0x6d: {  	[smem:$0x7FF] =	sst s3;
	s5 =	sshrl.u32 s0, $0x1;
	s31 =	sshll.u32 s8, $0x7;
	v22 =	vsel vm4, $0x200, v22;
	v17 =	vsel vm5, $0x500, v17;
	v20 =	vsel vm4, $0x300, v20  }
0x6e: {  	_ =	strace $0x80000047;
	s0 =	ssub.s32 s0, s5;
	s5 =	sshll.u32 s8, $0xA;
	v21 =	vsel vm7, $0x400, v21;
	v22 =	vsel vm5, $0x280, v22;
	v20 =	vsel vm5, $0x380, v20  }
0x6f: {  	s8 =	sadd.s32 s2, s31;
	s6 =	sadd.s32 s4, s1;
	s4 =	sadd.s32 $0xF49A00, s1;
	v17 =	vsel vm6, $0x580, v17;
	v22 =	vsel vm6, $0x300, v22;
	v20 =	vsel vm6, $0x400, v20  }
0x70: {  	s7 =	sor.u32 $0x40000, s5;
	s9 =	smax.u32 s0, $0x1;
	s6 =	sadd.s32 $0xF42A00, s6;
	v17 =	vsel vm7, $0x600, v17;
	v22 =	vsel vm7, $0x380, v22;
	v20 =	vsel vm7, $0x480, v20  }
.LBB2_16:
0x71: {  	s25 =	sadd.s32 $0x1, s25  }
0x72: {  	p0 =	sne.s32 s25, s9  }
.Ltmp1:
0x73: {  	_ = 	snop;
	(pc) =	sbr.rel @!p0 .LBB2_17-.Ltmp1, $4  }
0x74: {  	_ = 	snop  }
0x75: {  	_ =	swait.ge [sflag:s21], $0x2000  }
0x76: {  	[sflag:s21] =	ssyncset.done $0x0  }
0x77: {  	[sflag:s21] =	ssyncadd.s32 $0xFFFFE000  }
.LBB2_1:
0x78: {  	[tilespmem:s3], [sflag:$0x7] =	stream.linear.gather [hbm4b:s6+s3], $0x1900, $0x38;
	[tilespmem:$0x13C00] =	vst v63  }
0x79: {  	_ =	swait.ge [sflag:s10], $0x1900  }
0x7a: {  	[sflag:s10] =	ssyncset.done $0x0  }
0x7b: {  	[sflag:s10] =	ssyncadd.s32 $0xFFFFE700  }
0x7c: {  	[tilespmem:s12], [sflag:$0x1] =	stream.indirect.gather [hbm4b:s4+s11], $0x80, s3, s11, $0xb8;
	[tilespmem:$0x13C00] =	vst v63  }
0x7d: {  	s26 =	simm.s32 $0x0  }
0x7e: {  	[tilespmem:s13], [sflag:$0x2] =	stream.indirect.gather [hbm4b:s4+s11], $0x80, s11, s11, $0xb8;
	[tilespmem:$0x13C00] =	vst v63  }
.LBB2_2:
0x7f: {  	s29 =	smul.u32 $0x3, s26;
	_ =	sdelay $0x1  }
0x80: {  	s0 =	sadd.s32 $0xFFFFFFFE, s29  }
0x81: {  	p1 =	sgt.u32 s0, $0x31  }
0x82: {  	s0 =	simm.s32 @!p1 $0x5  }
0x83: {  	_ =	swait.ge @!p1 [sflag:s0], $0x2000  }
0x84: {  	p0 =	seq.s32 s26, $0x10;
	s28 =	sadd.s32 $0x2, s29;
	[sflag:s0] =	ssyncset.done @!p1 $0x0  }
0x85: {  	[sflag:s0] =	ssyncadd.s32 @!p1 $0xFFFFE000;
	s0 =	sshll.u32 @!p0 s28, $0x7  }
0x86: {  	s1 =	simm.s32 @!p0 $0x80;
	s30 =	simm.s32 @!p0 $0x9C00;
	s0 =	sand.u32 @!p0 $0x3FFFFF80, s0  }
0x87: {  	[tilespmem:s30], [sflag:$0x3] =	stream.indirect.gather @!p0 [hbm4b:s4+s1], $0x80, s0, s1, $0xb8;
	[tilespmem:$0x13C00] =	vst v63  }
0x88: {  	_ =	swait.ge [sflag:s14], $0x4000  }
0x89: {  	[sflag:s14] =	ssyncset.done $0x0  }
0x8a: {  	s31 =	simm.s32 $0x0;
	s30 =	simm.s32 $0x0;
	[sflag:s14] =	ssyncadd.s32 $0xFFFFC000  }
.LBB2_3:
0x8b: {  	s0 =	sshll.u32 s31, $0x4  }
0x8c: {  	v32 =	vor.u32 s0, v0  }
0x8d: {  	v48 =	vshll.u32 v32, $0x7  }
0x8e: {  	v36 =	vor.u32 v0, v48  }
0x8f: {  	v34 =	vor.u32 s30, v36;
	_ =	sdelay $0x1  }
0x90: {  	v33 =	vmov s30  }
0x91: {  	v49 =	vshll.u32 v33, $0x7  }
0x92: {  	v35 =	vor.u32 v31, v49  }
0x93: {  	v33 =	vor.u32 v1, v48;
	v35 =	vadd.s32 v32, v35;
	v34 =	vld.idx.msk [tilespmem:v34+s12+$0x0], $0xffff  }
0x94: {  	v37 =	vor.u32 s30, v33;
	_ =	sdelay $0x3  }
0x95: {  	v47 =	vor.u32 v30, v49;
	[tilespmem:v35+s15+$0x0] =	vst.idx.msk $0xffff, v34  }
0x96: {  	v34 =	vor.u32 v2, v48;
	v35 =	vadd.s32 v32, v47;
	v37 =	vld.idx.msk [tilespmem:v37+s12+$0x0], $0xffff  }
0x97: {  	v38 =	vor.u32 s30, v34;
	_ =	sdelay $0x3  }
0x98: {  	v50 =	vor.u32 v29, v49;
	[tilespmem:v35+s15+$0x0] =	vst.idx.msk $0xffff, v37  }
0x99: {  	v35 =	vor.u32 v3, v48;
	v37 =	vadd.s32 v32, v50;
	v38 =	vld.idx.msk [tilespmem:v38+s12+$0x0], $0xffff  }
0x9a: {  	v39 =	vor.u32 s30, v35;
	_ =	sdelay $0x3  }
0x9b: {  	v51 =	vor.u32 v28, v49;
	[tilespmem:v37+s15+$0x0] =	vst.idx.msk $0xffff, v38  }
0x9c: {  	v37 =	vor.u32 v4, v48;
	v38 =	vadd.s32 v32, v51;
	v39 =	vld.idx.msk [tilespmem:v39+s12+$0x0], $0xffff  }
0x9d: {  	v40 =	vor.u32 s30, v37;
	_ =	sdelay $0x3  }
0x9e: {  	v52 =	vor.u32 v27, v49;
	[tilespmem:v38+s15+$0x0] =	vst.idx.msk $0xffff, v39  }
0x9f: {  	v38 =	vor.u32 v5, v48;
	v39 =	vadd.s32 v32, v52;
	v40 =	vld.idx.msk [tilespmem:v40+s12+$0x0], $0xffff  }
0xa0: {  	v41 =	vor.u32 s30, v38;
	_ =	sdelay $0x3  }
0xa1: {  	v53 =	vor.u32 v26, v49;
	[tilespmem:v39+s15+$0x0] =	vst.idx.msk $0xffff, v40  }
0xa2: {  	v39 =	vor.u32 v6, v48;
	v40 =	vadd.s32 v32, v53;
	v41 =	vld.idx.msk [tilespmem:v41+s12+$0x0], $0xffff  }
0xa3: {  	v42 =	vor.u32 s30, v39;
	_ =	sdelay $0x3  }
0xa4: {  	v54 =	vor.u32 v25, v49;
	[tilespmem:v40+s15+$0x0] =	vst.idx.msk $0xffff, v41  }
0xa5: {  	v40 =	vor.u32 v7, v48;
	v41 =	vadd.s32 v32, v54;
	v42 =	vld.idx.msk [tilespmem:v42+s12+$0x0], $0xffff  }
0xa6: {  	v43 =	vor.u32 s30, v40;
	_ =	sdelay $0x3  }
0xa7: {  	v55 =	vor.u32 v24, v49;
	[tilespmem:v41+s15+$0x0] =	vst.idx.msk $0xffff, v42  }
0xa8: {  	v41 =	vor.u32 v8, v48;
	v42 =	vadd.s32 v32, v55;
	v43 =	vld.idx.msk [tilespmem:v43+s12+$0x0], $0xffff  }
0xa9: {  	v44 =	vor.u32 s30, v41;
	_ =	sdelay $0x3  }
0xaa: {  	v56 =	vor.u32 v23, v49;
	[tilespmem:v42+s15+$0x0] =	vst.idx.msk $0xffff, v43  }
0xab: {  	v42 =	vor.u32 v9, v48;
	v43 =	vadd.s32 v32, v56;
	v44 =	vld.idx.msk [tilespmem:v44+s12+$0x0], $0xffff  }
0xac: {  	v45 =	vor.u32 s30, v42;
	_ =	sdelay $0x3  }
0xad: {  	v57 =	vor.u32 v22, v49;
	[tilespmem:v43+s15+$0x0] =	vst.idx.msk $0xffff, v44  }
0xae: {  	v43 =	vor.u32 v10, v48;
	v44 =	vadd.s32 v32, v57;
	v45 =	vld.idx.msk [tilespmem:v45+s12+$0x0], $0xffff  }
0xaf: {  	v46 =	vor.u32 s30, v43;
	_ =	sdelay $0x3  }
0xb0: {  	v58 =	vor.u32 v21, v49;
	[tilespmem:v44+s15+$0x0] =	vst.idx.msk $0xffff, v45  }
0xb1: {  	v44 =	vor.u32 v11, v48;
	v45 =	vadd.s32 v32, v58;
	v46 =	vld.idx.msk [tilespmem:v46+s12+$0x0], $0xffff  }
0xb2: {  	v47 =	vor.u32 s30, v44;
	_ =	sdelay $0x3  }
0xb3: {  	v59 =	vor.u32 v20, v49;
	[tilespmem:v45+s15+$0x0] =	vst.idx.msk $0xffff, v46  }
0xb4: {  	v45 =	vor.u32 v12, v48;
	v46 =	vadd.s32 v32, v59;
	v47 =	vld.idx.msk [tilespmem:v47+s12+$0x0], $0xffff  }
0xb5: {  	v50 =	vor.u32 s30, v45;
	_ =	sdelay $0x3  }
0xb6: {  	v60 =	vor.u32 v19, v49;
	[tilespmem:v46+s15+$0x0] =	vst.idx.msk $0xffff, v47  }
0xb7: {  	v46 =	vor.u32 v13, v48;
	v47 =	vadd.s32 v32, v60;
	v50 =	vld.idx.msk [tilespmem:v50+s12+$0x0], $0xffff  }
0xb8: {  	v51 =	vor.u32 s30, v46;
	_ =	sdelay $0x3  }
0xb9: {  	v61 =	vor.u32 v18, v49;
	[tilespmem:v47+s15+$0x0] =	vst.idx.msk $0xffff, v50  }
0xba: {  	v47 =	vor.u32 v14, v48;
	v50 =	vadd.s32 v32, v61;
	v51 =	vld.idx.msk [tilespmem:v51+s12+$0x0], $0xffff  }
0xbb: {  	v52 =	vor.u32 s30, v47;
	_ =	sdelay $0x3  }
0xbc: {  	v62 =	vor.u32 v17, v49;
	[tilespmem:v50+s15+$0x0] =	vst.idx.msk $0xffff, v51  }
0xbd: {  	v48 =	vor.u32 v15, v48;
	v50 =	vadd.s32 v32, v62;
	v51 =	vld.idx.msk [tilespmem:v52+s12+$0x0], $0xffff  }
0xbe: {  	v63 =	vor.u32 s30, v48;
	_ =	sdelay $0x3  }
0xbf: {  	v49 =	vor.u32 v16, v49;
	[tilespmem:v50+s15+$0x0] =	vst.idx.msk $0xffff, v51  }
0xc0: {  	s1 =	simm.s32 $0x10;
	v52 =	vadd.s32 v32, v49;
	v50 =	vld.idx.msk [tilespmem:v63+s12+$0x0], $0xffff  }
0xc1: {  	s0 =	simm.s32 $0x20;
	v51 =	vor.u32 s1, v36  }
.LBB2_4:
0xc2: {  	p1 =	sne.s32 s0, $0x30;
	_ =	sdelay $0x1  }
0xc3: {  	v49 =	vmov s1  }
0xc4: {  	v49 =	vshll.u32 v49, $0x7;
	[tilespmem:v52+s15+$0x0] =	vst.idx.msk $0xffff, v50  }
0xc5: {  	v50 =	vld.idx.msk [tilespmem:v51+s12+$0x0], $0xffff;
	v51 =	vor.u32 v31, v49  }
0xc6: {  	v51 =	vadd.s32 v32, v51  }
0xc7: {  	v52 =	vor.u32 s1, v33;
	_ =	sdelay $0x3  }
0xc8: {  	[tilespmem:v51+s15+$0x0] =	vst.idx.msk $0xffff, v50  }
0xc9: {  	v51 =	vor.u32 v30, v49;
	v50 =	vld.idx.msk [tilespmem:v52+s12+$0x0], $0xffff  }
0xca: {  	v51 =	vadd.s32 v32, v51  }
0xcb: {  	v52 =	vor.u32 s1, v34;
	_ =	sdelay $0x3  }
0xcc: {  	[tilespmem:v51+s15+$0x0] =	vst.idx.msk $0xffff, v50  }
0xcd: {  	v51 =	vor.u32 v29, v49;
	v50 =	vld.idx.msk [tilespmem:v52+s12+$0x0], $0xffff  }
0xce: {  	v51 =	vadd.s32 v32, v51  }
0xcf: {  	v52 =	vor.u32 s1, v35;
	_ =	sdelay $0x3  }
0xd0: {  	[tilespmem:v51+s15+$0x0] =	vst.idx.msk $0xffff, v50  }
0xd1: {  	v51 =	vor.u32 v28, v49;
	v50 =	vld.idx.msk [tilespmem:v52+s12+$0x0], $0xffff  }
0xd2: {  	v51 =	vadd.s32 v32, v51  }
0xd3: {  	v52 =	vor.u32 s1, v37;
	_ =	sdelay $0x3  }
0xd4: {  	[tilespmem:v51+s15+$0x0] =	vst.idx.msk $0xffff, v50  }
0xd5: {  	v51 =	vor.u32 v27, v49;
	v50 =	vld.idx.msk [tilespmem:v52+s12+$0x0], $0xffff  }
0xd6: {  	v51 =	vadd.s32 v32, v51  }
0xd7: {  	v52 =	vor.u32 s1, v38;
	_ =	sdelay $0x3  }
0xd8: {  	[tilespmem:v51+s15+$0x0] =	vst.idx.msk $0xffff, v50  }
0xd9: {  	v51 =	vor.u32 v26, v49;
	v50 =	vld.idx.msk [tilespmem:v52+s12+$0x0], $0xffff  }
0xda: {  	v51 =	vadd.s32 v32, v51  }
0xdb: {  	v52 =	vor.u32 s1, v39;
	_ =	sdelay $0x3  }
0xdc: {  	[tilespmem:v51+s15+$0x0] =	vst.idx.msk $0xffff, v50  }
0xdd: {  	v51 =	vor.u32 v25, v49;
	v50 =	vld.idx.msk [tilespmem:v52+s12+$0x0], $0xffff  }
0xde: {  	v51 =	vadd.s32 v32, v51  }
0xdf: {  	v52 =	vor.u32 s1, v40;
	_ =	sdelay $0x3  }
0xe0: {  	[tilespmem:v51+s15+$0x0] =	vst.idx.msk $0xffff, v50  }
0xe1: {  	v51 =	vor.u32 v24, v49;
	v50 =	vld.idx.msk [tilespmem:v52+s12+$0x0], $0xffff  }
0xe2: {  	v51 =	vadd.s32 v32, v51  }
0xe3: {  	v52 =	vor.u32 s1, v41;
	_ =	sdelay $0x3  }
0xe4: {  	[tilespmem:v51+s15+$0x0] =	vst.idx.msk $0xffff, v50  }
0xe5: {  	v51 =	vor.u32 v23, v49;
	v50 =	vld.idx.msk [tilespmem:v52+s12+$0x0], $0xffff  }
0xe6: {  	v51 =	vadd.s32 v32, v51  }
0xe7: {  	v52 =	vor.u32 s1, v42;
	_ =	sdelay $0x3  }
0xe8: {  	[tilespmem:v51+s15+$0x0] =	vst.idx.msk $0xffff, v50  }
0xe9: {  	v51 =	vor.u32 v22, v49;
	v50 =	vld.idx.msk [tilespmem:v52+s12+$0x0], $0xffff  }
0xea: {  	v51 =	vadd.s32 v32, v51  }
0xeb: {  	v52 =	vor.u32 s1, v43;
	_ =	sdelay $0x3  }
0xec: {  	[tilespmem:v51+s15+$0x0] =	vst.idx.msk $0xffff, v50  }
0xed: {  	v51 =	vor.u32 v21, v49;
	v50 =	vld.idx.msk [tilespmem:v52+s12+$0x0], $0xffff  }
0xee: {  	v51 =	vadd.s32 v32, v51  }
0xef: {  	v52 =	vor.u32 s1, v44;
	_ =	sdelay $0x3  }
0xf0: {  	[tilespmem:v51+s15+$0x0] =	vst.idx.msk $0xffff, v50  }
0xf1: {  	v51 =	vor.u32 v20, v49;
	v50 =	vld.idx.msk [tilespmem:v52+s12+$0x0], $0xffff  }
0xf2: {  	v51 =	vadd.s32 v32, v51  }
0xf3: {  	v52 =	vor.u32 s1, v45;
	_ =	sdelay $0x3  }
0xf4: {  	[tilespmem:v51+s15+$0x0] =	vst.idx.msk $0xffff, v50  }
0xf5: {  	v51 =	vor.u32 v19, v49;
	v50 =	vld.idx.msk [tilespmem:v52+s12+$0x0], $0xffff  }
0xf6: {  	v51 =	vadd.s32 v32, v51  }
0xf7: {  	v52 =	vor.u32 s1, v46;
	_ =	sdelay $0x3  }
0xf8: {  	[tilespmem:v51+s15+$0x0] =	vst.idx.msk $0xffff, v50  }
0xf9: {  	v51 =	vor.u32 v18, v49;
	v50 =	vld.idx.msk [tilespmem:v52+s12+$0x0], $0xffff  }
0xfa: {  	v51 =	vadd.s32 v32, v51  }
0xfb: {  	v52 =	vor.u32 s1, v47;
	_ =	sdelay $0x3  }
0xfc: {  	[tilespmem:v51+s15+$0x0] =	vst.idx.msk $0xffff, v50  }
0xfd: {  	v51 =	vor.u32 v17, v49;
	v50 =	vld.idx.msk [tilespmem:v52+s12+$0x0], $0xffff  }
0xfe: {  	v51 =	vadd.s32 v32, v51  }
0xff: {  	v52 =	vor.u32 s1, v48;
	s1 =	smov.u32 s0;
	_ =	sdelay $0x2  }
.Ltmp2:
0x100: {  	(pc) =	sbr.rel @p1 .LBB2_4-.Ltmp2, $4  }
0x101: {  	[tilespmem:v51+s15+$0x0] =	vst.idx.msk $0xffff, v50  }
0x102: {  	v49 =	vor.u32 v16, v49;
	v50 =	vld.idx.msk [tilespmem:v52+s12+$0x0], $0xffff  }
0x103: {  	v52 =	vadd.s32 v32, v49  }
0x104: {  	s0 =	sadd.s32 $0x10, s0;
	v51 =	vor.u32 s1, v36  }
0x105: {  	_ =	sdelay $0x1  }
0x106: {  	v36 =	vmov s1  }
0x107: {  	v36 =	vshll.u32 v36, $0x7  }
0x108: {  	[tilespmem:v52+s15+$0x0] =	vst.idx.msk $0xffff, v50;
	v49 =	vor.u32 v31, v36  }
0x109: {  	v50 =	vld.idx.msk [tilespmem:v51+s12+$0x0], $0xffff;
	v49 =	vadd.s32 v32, v49  }
0x10a: {  	v33 =	vor.u32 s1, v33;
	_ =	sdelay $0x3  }
0x10b: {  	v56 =	vor.u32 v30, v36;
	[tilespmem:v49+s15+$0x0] =	vst.idx.msk $0xffff, v50  }
0x10c: {  	v49 =	vadd.s32 v32, v56;
	v33 =	vld.idx.msk [tilespmem:v33+s12+$0x0], $0xffff  }
0x10d: {  	v34 =	vor.u32 s1, v34;
	_ =	sdelay $0x3  }
0x10e: {  	v57 =	vor.u32 v29, v36;
	[tilespmem:v49+s15+$0x0] =	vst.idx.msk $0xffff, v33  }
0x10f: {  	v33 =	vadd.s32 v32, v57;
	v34 =	vld.idx.msk [tilespmem:v34+s12+$0x0], $0xffff  }
0x110: {  	v35 =	vor.u32 s1, v35;
	_ =	sdelay $0x3  }
0x111: {  	v58 =	vor.u32 v28, v36;
	[tilespmem:v33+s15+$0x0] =	vst.idx.msk $0xffff, v34  }
0x112: {  	v33 =	vadd.s32 v32, v58;
	v34 =	vld.idx.msk [tilespmem:v35+s12+$0x0], $0xffff  }
0x113: {  	v59 =	vor.u32 s1, v37;
	_ =	sdelay $0x3  }
0x114: {  	v60 =	vor.u32 v27, v36;
	[tilespmem:v33+s15+$0x0] =	vst.idx.msk $0xffff, v34  }
0x115: {  	v33 =	vadd.s32 v32, v60;
	v34 =	vld.idx.msk [tilespmem:v59+s12+$0x0], $0xffff  }
0x116: {  	v61 =	vor.u32 s1, v38;
	_ =	sdelay $0x3  }
0x117: {  	v62 =	vor.u32 v26, v36;
	[tilespmem:v33+s15+$0x0] =	vst.idx.msk $0xffff, v34  }
0x118: {  	v33 =	vadd.s32 v32, v62;
	v34 =	vld.idx.msk [tilespmem:v61+s12+$0x0], $0xffff  }
0x119: {  	v63 =	vor.u32 s1, v39;
	_ =	sdelay $0x3  }
0x11a: {  	v37 =	vor.u32 v25, v36;
	[tilespmem:v33+s15+$0x0] =	vst.idx.msk $0xffff, v34  }
0x11b: {  	v33 =	vadd.s32 v32, v37;
	v34 =	vld.idx.msk [tilespmem:v63+s12+$0x0], $0xffff  }
0x11c: {  	v38 =	vor.u32 s1, v40;
	_ =	sdelay $0x3  }
0x11d: {  	v39 =	vor.u32 v24, v36;
	[tilespmem:v33+s15+$0x0] =	vst.idx.msk $0xffff, v34  }
0x11e: {  	v33 =	vadd.s32 v32, v39;
	v34 =	vld.idx.msk [tilespmem:v38+s12+$0x0], $0xffff  }
0x11f: {  	v40 =	vor.u32 s1, v41;
	_ =	sdelay $0x3  }
0x120: {  	v41 =	vor.u32 v23, v36;
	[tilespmem:v33+s15+$0x0] =	vst.idx.msk $0xffff, v34  }
0x121: {  	v33 =	vadd.s32 v32, v41;
	v34 =	vld.idx.msk [tilespmem:v40+s12+$0x0], $0xffff  }
0x122: {  	v49 =	vor.u32 s1, v42;
	_ =	sdelay $0x3  }
0x123: {  	v50 =	vor.u32 v22, v36;
	[tilespmem:v33+s15+$0x0] =	vst.idx.msk $0xffff, v34  }
0x124: {  	v33 =	vadd.s32 v32, v50;
	v34 =	vld.idx.msk [tilespmem:v49+s12+$0x0], $0xffff  }
0x125: {  	v51 =	vor.u32 s1, v43;
	_ =	sdelay $0x3  }
0x126: {  	v52 =	vor.u32 v21, v36;
	[tilespmem:v33+s15+$0x0] =	vst.idx.msk $0xffff, v34  }
0x127: {  	v33 =	vadd.s32 v32, v52;
	v34 =	vld.idx.msk [tilespmem:v51+s12+$0x0], $0xffff  }
0x128: {  	v53 =	vor.u32 s1, v44;
	_ =	sdelay $0x3  }
0x129: {  	v54 =	vor.u32 v20, v36;
	[tilespmem:v33+s15+$0x0] =	vst.idx.msk $0xffff, v34  }
0x12a: {  	v33 =	vadd.s32 v32, v54;
	v34 =	vld.idx.msk [tilespmem:v53+s12+$0x0], $0xffff  }
0x12b: {  	v55 =	vor.u32 s1, v45;
	_ =	sdelay $0x3  }
0x12c: {  	v56 =	vor.u32 v19, v36;
	[tilespmem:v33+s15+$0x0] =	vst.idx.msk $0xffff, v34  }
0x12d: {  	v33 =	vadd.s32 v32, v56;
	v34 =	vld.idx.msk [tilespmem:v55+s12+$0x0], $0xffff  }
0x12e: {  	v57 =	vor.u32 s1, v46;
	_ =	sdelay $0x3  }
0x12f: {  	v58 =	vor.u32 v18, v36;
	[tilespmem:v33+s15+$0x0] =	vst.idx.msk $0xffff, v34  }
0x130: {  	v33 =	vadd.s32 v32, v58;
	v34 =	vld.idx.msk [tilespmem:v57+s12+$0x0], $0xffff  }
0x131: {  	v59 =	vor.u32 s1, v47;
	_ =	sdelay $0x3  }
0x132: {  	v60 =	vor.u32 v17, v36;
	[tilespmem:v33+s15+$0x0] =	vst.idx.msk $0xffff, v34  }
0x133: {  	v33 =	vadd.s32 v32, v60;
	v34 =	vld.idx.msk [tilespmem:v59+s12+$0x0], $0xffff  }
0x134: {  	v61 =	vor.u32 s1, v48;
	_ =	sdelay $0x3  }
0x135: {  	s31 =	sadd.s32 $0x1, s31;
	v62 =	vor.u32 v16, v36;
	[tilespmem:v33+s15+$0x0] =	vst.idx.msk $0xffff, v34  }
0x136: {  	p1 =	sne.s32 s31, $0x8;
	v63 =	vadd.s32 v32, v62;
	v34 =	vld.idx.msk [tilespmem:v61+s12+$0x0], $0xffff  }
.Ltmp3:
0x137: {  	_ = 	snop;
	(pc) =	sbr.rel @p1 .LBB2_3-.Ltmp3, $2  }
0x138: {  	_ =	sdelay $0x2  }
0x139: {  	[tilespmem:v63+s15+$0x0] =	vst.idx.msk $0xffff, v34  }
0x13a: {  	s30 =	smul.u32 $0xC0000, s26;
	_ =	sdelay $0x1  }
0x13b: {  	s0 =	sor.u32 s5, s30  }
0x13c: {  	s1 =	sadd.s32 $0xFFFFFFFF, s29;
	s0 =	sshrl.u32 s0, $0x3  }
0x13d: {  	p1 =	sgt.u32 s1, $0x31;
	s0 =	sadd.s32 s2, s0  }
0x13e: {  	[hbm4b:s0+s16] =	stream.strided.scatter [tilespmem:s15], [sflag:$0x4], $0x2000, s17, s16, $0x38;
	[tilespmem:$0x13C00] =	vst v63  }
0x13f: {  	s0 =	simm.s32 @!p1 $0x6  }
0x140: {  	s1 =	smul.u32 @!p0 $0x600, s26;
	_ =	swait.ge @!p1 [sflag:s0], $0x2000  }
0x141: {  	[sflag:s0] =	ssyncset.done @!p1 $0x0  }
0x142: {  	[sflag:s0] =	ssyncadd.s32 @!p1 $0xFFFFE000;
	s0 =	sshra.s32 @!p0 s1, $0x2  }
0x143: {  	s29 =	simm.s32 @!p0 $0x1C00;
	s1 =	simm.s32 @!p0 $0x80;
	s0 =	sadd.s32 @!p0 $0x180, s0  }
0x144: {  	[tilespmem:s29], [sflag:$0x1] =	stream.indirect.gather @!p0 [hbm4b:s4+s1], $0x80, s0, s1, $0xb8;
	[tilespmem:$0x13C00] =	vst v63  }
0x145: {  	_ =	swait.ge [sflag:s18], $0x4000  }
0x146: {  	[sflag:s18] =	ssyncset.done $0x0  }
0x147: {  	s31 =	simm.s32 $0x0;
	s29 =	simm.s32 $0x0;
	[sflag:s18] =	ssyncadd.s32 $0xFFFFC000  }
.LBB2_7:
0x148: {  	s0 =	sshll.u32 s31, $0x4  }
0x149: {  	v32 =	vor.u32 s0, v0  }
0x14a: {  	v48 =	vshll.u32 v32, $0x7  }
0x14b: {  	v36 =	vor.u32 v0, v48  }
0x14c: {  	v34 =	vor.u32 s29, v36;
	_ =	sdelay $0x1  }
0x14d: {  	v33 =	vmov s29  }
0x14e: {  	v49 =	vshll.u32 v33, $0x7  }
0x14f: {  	v35 =	vor.u32 v31, v49  }
0x150: {  	v33 =	vor.u32 v1, v48;
	v35 =	vadd.s32 v32, v35;
	v34 =	vld.idx.msk [tilespmem:v34+s13+$0x0], $0xffff  }
0x151: {  	v37 =	vor.u32 s29, v33;
	_ =	sdelay $0x3  }
0x152: {  	v47 =	vor.u32 v30, v49;
	[tilespmem:v35+s19+$0x0] =	vst.idx.msk $0xffff, v34  }
0x153: {  	v34 =	vor.u32 v2, v48;
	v35 =	vadd.s32 v32, v47;
	v37 =	vld.idx.msk [tilespmem:v37+s13+$0x0], $0xffff  }
0x154: {  	v38 =	vor.u32 s29, v34;
	_ =	sdelay $0x3  }
0x155: {  	v50 =	vor.u32 v29, v49;
	[tilespmem:v35+s19+$0x0] =	vst.idx.msk $0xffff, v37  }
0x156: {  	v35 =	vor.u32 v3, v48;
	v37 =	vadd.s32 v32, v50;
	v38 =	vld.idx.msk [tilespmem:v38+s13+$0x0], $0xffff  }
0x157: {  	v39 =	vor.u32 s29, v35;
	_ =	sdelay $0x3  }
0x158: {  	v51 =	vor.u32 v28, v49;
	[tilespmem:v37+s19+$0x0] =	vst.idx.msk $0xffff, v38  }
0x159: {  	v37 =	vor.u32 v4, v48;
	v38 =	vadd.s32 v32, v51;
	v39 =	vld.idx.msk [tilespmem:v39+s13+$0x0], $0xffff  }
0x15a: {  	v40 =	vor.u32 s29, v37;
	_ =	sdelay $0x3  }
0x15b: {  	v52 =	vor.u32 v27, v49;
	[tilespmem:v38+s19+$0x0] =	vst.idx.msk $0xffff, v39  }
0x15c: {  	v38 =	vor.u32 v5, v48;
	v39 =	vadd.s32 v32, v52;
	v40 =	vld.idx.msk [tilespmem:v40+s13+$0x0], $0xffff  }
0x15d: {  	v41 =	vor.u32 s29, v38;
	_ =	sdelay $0x3  }
0x15e: {  	v53 =	vor.u32 v26, v49;
	[tilespmem:v39+s19+$0x0] =	vst.idx.msk $0xffff, v40  }
0x15f: {  	v39 =	vor.u32 v6, v48;
	v40 =	vadd.s32 v32, v53;
	v41 =	vld.idx.msk [tilespmem:v41+s13+$0x0], $0xffff  }
0x160: {  	v42 =	vor.u32 s29, v39;
	_ =	sdelay $0x3  }
0x161: {  	v54 =	vor.u32 v25, v49;
	[tilespmem:v40+s19+$0x0] =	vst.idx.msk $0xffff, v41  }
0x162: {  	v40 =	vor.u32 v7, v48;
	v41 =	vadd.s32 v32, v54;
	v42 =	vld.idx.msk [tilespmem:v42+s13+$0x0], $0xffff  }
0x163: {  	v43 =	vor.u32 s29, v40;
	_ =	sdelay $0x3  }
0x164: {  	v55 =	vor.u32 v24, v49;
	[tilespmem:v41+s19+$0x0] =	vst.idx.msk $0xffff, v42  }
0x165: {  	v41 =	vor.u32 v8, v48;
	v42 =	vadd.s32 v32, v55;
	v43 =	vld.idx.msk [tilespmem:v43+s13+$0x0], $0xffff  }
0x166: {  	v44 =	vor.u32 s29, v41;
	_ =	sdelay $0x3  }
0x167: {  	v56 =	vor.u32 v23, v49;
	[tilespmem:v42+s19+$0x0] =	vst.idx.msk $0xffff, v43  }
0x168: {  	v42 =	vor.u32 v9, v48;
	v43 =	vadd.s32 v32, v56;
	v44 =	vld.idx.msk [tilespmem:v44+s13+$0x0], $0xffff  }
0x169: {  	v45 =	vor.u32 s29, v42;
	_ =	sdelay $0x3  }
0x16a: {  	v57 =	vor.u32 v22, v49;
	[tilespmem:v43+s19+$0x0] =	vst.idx.msk $0xffff, v44  }
0x16b: {  	v43 =	vor.u32 v10, v48;
	v44 =	vadd.s32 v32, v57;
	v45 =	vld.idx.msk [tilespmem:v45+s13+$0x0], $0xffff  }
0x16c: {  	v46 =	vor.u32 s29, v43;
	_ =	sdelay $0x3  }
0x16d: {  	v58 =	vor.u32 v21, v49;
	[tilespmem:v44+s19+$0x0] =	vst.idx.msk $0xffff, v45  }
0x16e: {  	v44 =	vor.u32 v11, v48;
	v45 =	vadd.s32 v32, v58;
	v46 =	vld.idx.msk [tilespmem:v46+s13+$0x0], $0xffff  }
0x16f: {  	v47 =	vor.u32 s29, v44;
	_ =	sdelay $0x3  }
0x170: {  	v59 =	vor.u32 v20, v49;
	[tilespmem:v45+s19+$0x0] =	vst.idx.msk $0xffff, v46  }
0x171: {  	v45 =	vor.u32 v12, v48;
	v46 =	vadd.s32 v32, v59;
	v47 =	vld.idx.msk [tilespmem:v47+s13+$0x0], $0xffff  }
0x172: {  	v50 =	vor.u32 s29, v45;
	_ =	sdelay $0x3  }
0x173: {  	v60 =	vor.u32 v19, v49;
	[tilespmem:v46+s19+$0x0] =	vst.idx.msk $0xffff, v47  }
0x174: {  	v46 =	vor.u32 v13, v48;
	v47 =	vadd.s32 v32, v60;
	v50 =	vld.idx.msk [tilespmem:v50+s13+$0x0], $0xffff  }
0x175: {  	v51 =	vor.u32 s29, v46;
	_ =	sdelay $0x3  }
0x176: {  	v61 =	vor.u32 v18, v49;
	[tilespmem:v47+s19+$0x0] =	vst.idx.msk $0xffff, v50  }
0x177: {  	v47 =	vor.u32 v14, v48;
	v50 =	vadd.s32 v32, v61;
	v51 =	vld.idx.msk [tilespmem:v51+s13+$0x0], $0xffff  }
0x178: {  	v52 =	vor.u32 s29, v47;
	_ =	sdelay $0x3  }
0x179: {  	v62 =	vor.u32 v17, v49;
	[tilespmem:v50+s19+$0x0] =	vst.idx.msk $0xffff, v51  }
0x17a: {  	v48 =	vor.u32 v15, v48;
	v50 =	vadd.s32 v32, v62;
	v51 =	vld.idx.msk [tilespmem:v52+s13+$0x0], $0xffff  }
0x17b: {  	v63 =	vor.u32 s29, v48;
	_ =	sdelay $0x3  }
0x17c: {  	v49 =	vor.u32 v16, v49;
	[tilespmem:v50+s19+$0x0] =	vst.idx.msk $0xffff, v51  }
0x17d: {  	s1 =	simm.s32 $0x10;
	v52 =	vadd.s32 v32, v49;
	v50 =	vld.idx.msk [tilespmem:v63+s13+$0x0], $0xffff  }
0x17e: {  	s0 =	simm.s32 $0x20;
	v51 =	vor.u32 s1, v36  }
.LBB2_8:
0x17f: {  	p1 =	sne.s32 s0, $0x30;
	_ =	sdelay $0x1  }
0x180: {  	v49 =	vmov s1  }
0x181: {  	v49 =	vshll.u32 v49, $0x7;
	[tilespmem:v52+s19+$0x0] =	vst.idx.msk $0xffff, v50  }
0x182: {  	v50 =	vld.idx.msk [tilespmem:v51+s13+$0x0], $0xffff;
	v51 =	vor.u32 v31, v49  }
0x183: {  	v51 =	vadd.s32 v32, v51  }
0x184: {  	v52 =	vor.u32 s1, v33;
	_ =	sdelay $0x3  }
0x185: {  	[tilespmem:v51+s19+$0x0] =	vst.idx.msk $0xffff, v50  }
0x186: {  	v51 =	vor.u32 v30, v49;
	v50 =	vld.idx.msk [tilespmem:v52+s13+$0x0], $0xffff  }
0x187: {  	v51 =	vadd.s32 v32, v51  }
0x188: {  	v52 =	vor.u32 s1, v34;
	_ =	sdelay $0x3  }
0x189: {  	[tilespmem:v51+s19+$0x0] =	vst.idx.msk $0xffff, v50  }
0x18a: {  	v51 =	vor.u32 v29, v49;
	v50 =	vld.idx.msk [tilespmem:v52+s13+$0x0], $0xffff  }
0x18b: {  	v51 =	vadd.s32 v32, v51  }
0x18c: {  	v52 =	vor.u32 s1, v35;
	_ =	sdelay $0x3  }
0x18d: {  	[tilespmem:v51+s19+$0x0] =	vst.idx.msk $0xffff, v50  }
0x18e: {  	v51 =	vor.u32 v28, v49;
	v50 =	vld.idx.msk [tilespmem:v52+s13+$0x0], $0xffff  }
0x18f: {  	v51 =	vadd.s32 v32, v51  }
0x190: {  	v52 =	vor.u32 s1, v37;
	_ =	sdelay $0x3  }
0x191: {  	[tilespmem:v51+s19+$0x0] =	vst.idx.msk $0xffff, v50  }
0x192: {  	v51 =	vor.u32 v27, v49;
	v50 =	vld.idx.msk [tilespmem:v52+s13+$0x0], $0xffff  }
0x193: {  	v51 =	vadd.s32 v32, v51  }
0x194: {  	v52 =	vor.u32 s1, v38;
	_ =	sdelay $0x3  }
0x195: {  	[tilespmem:v51+s19+$0x0] =	vst.idx.msk $0xffff, v50  }
0x196: {  	v51 =	vor.u32 v26, v49;
	v50 =	vld.idx.msk [tilespmem:v52+s13+$0x0], $0xffff  }
0x197: {  	v51 =	vadd.s32 v32, v51  }
0x198: {  	v52 =	vor.u32 s1, v39;
	_ =	sdelay $0x3  }
0x199: {  	[tilespmem:v51+s19+$0x0] =	vst.idx.msk $0xffff, v50  }
0x19a: {  	v51 =	vor.u32 v25, v49;
	v50 =	vld.idx.msk [tilespmem:v52+s13+$0x0], $0xffff  }
0x19b: {  	v51 =	vadd.s32 v32, v51  }
0x19c: {  	v52 =	vor.u32 s1, v40;
	_ =	sdelay $0x3  }
0x19d: {  	[tilespmem:v51+s19+$0x0] =	vst.idx.msk $0xffff, v50  }
0x19e: {  	v51 =	vor.u32 v24, v49;
	v50 =	vld.idx.msk [tilespmem:v52+s13+$0x0], $0xffff  }
0x19f: {  	v51 =	vadd.s32 v32, v51  }
0x1a0: {  	v52 =	vor.u32 s1, v41;
	_ =	sdelay $0x3  }
0x1a1: {  	[tilespmem:v51+s19+$0x0] =	vst.idx.msk $0xffff, v50  }
0x1a2: {  	v51 =	vor.u32 v23, v49;
	v50 =	vld.idx.msk [tilespmem:v52+s13+$0x0], $0xffff  }
0x1a3: {  	v51 =	vadd.s32 v32, v51  }
0x1a4: {  	v52 =	vor.u32 s1, v42;
	_ =	sdelay $0x3  }
0x1a5: {  	[tilespmem:v51+s19+$0x0] =	vst.idx.msk $0xffff, v50  }
0x1a6: {  	v51 =	vor.u32 v22, v49;
	v50 =	vld.idx.msk [tilespmem:v52+s13+$0x0], $0xffff  }
0x1a7: {  	v51 =	vadd.s32 v32, v51  }
0x1a8: {  	v52 =	vor.u32 s1, v43;
	_ =	sdelay $0x3  }
0x1a9: {  	[tilespmem:v51+s19+$0x0] =	vst.idx.msk $0xffff, v50  }
0x1aa: {  	v51 =	vor.u32 v21, v49;
	v50 =	vld.idx.msk [tilespmem:v52+s13+$0x0], $0xffff  }
0x1ab: {  	v51 =	vadd.s32 v32, v51  }
0x1ac: {  	v52 =	vor.u32 s1, v44;
	_ =	sdelay $0x3  }
0x1ad: {  	[tilespmem:v51+s19+$0x0] =	vst.idx.msk $0xffff, v50  }
0x1ae: {  	v51 =	vor.u32 v20, v49;
	v50 =	vld.idx.msk [tilespmem:v52+s13+$0x0], $0xffff  }
0x1af: {  	v51 =	vadd.s32 v32, v51  }
0x1b0: {  	v52 =	vor.u32 s1, v45;
	_ =	sdelay $0x3  }
0x1b1: {  	[tilespmem:v51+s19+$0x0] =	vst.idx.msk $0xffff, v50  }
0x1b2: {  	v51 =	vor.u32 v19, v49;
	v50 =	vld.idx.msk [tilespmem:v52+s13+$0x0], $0xffff  }
0x1b3: {  	v51 =	vadd.s32 v32, v51  }
0x1b4: {  	v52 =	vor.u32 s1, v46;
	_ =	sdelay $0x3  }
0x1b5: {  	[tilespmem:v51+s19+$0x0] =	vst.idx.msk $0xffff, v50  }
0x1b6: {  	v51 =	vor.u32 v18, v49;
	v50 =	vld.idx.msk [tilespmem:v52+s13+$0x0], $0xffff  }
0x1b7: {  	v51 =	vadd.s32 v32, v51  }
0x1b8: {  	v52 =	vor.u32 s1, v47;
	_ =	sdelay $0x3  }
0x1b9: {  	[tilespmem:v51+s19+$0x0] =	vst.idx.msk $0xffff, v50  }
0x1ba: {  	v51 =	vor.u32 v17, v49;
	v50 =	vld.idx.msk [tilespmem:v52+s13+$0x0], $0xffff  }
0x1bb: {  	v51 =	vadd.s32 v32, v51  }
0x1bc: {  	v52 =	vor.u32 s1, v48;
	s1 =	smov.u32 s0;
	_ =	sdelay $0x2  }
.Ltmp4:
0x1bd: {  	(pc) =	sbr.rel @p1 .LBB2_8-.Ltmp4, $4  }
0x1be: {  	[tilespmem:v51+s19+$0x0] =	vst.idx.msk $0xffff, v50  }
0x1bf: {  	v49 =	vor.u32 v16, v49;
	v50 =	vld.idx.msk [tilespmem:v52+s13+$0x0], $0xffff  }
0x1c0: {  	v52 =	vadd.s32 v32, v49  }
0x1c1: {  	s0 =	sadd.s32 $0x10, s0;
	v51 =	vor.u32 s1, v36  }
0x1c2: {  	_ =	sdelay $0x1  }
0x1c3: {  	v36 =	vmov s1  }
0x1c4: {  	v36 =	vshll.u32 v36, $0x7  }
0x1c5: {  	[tilespmem:v52+s19+$0x0] =	vst.idx.msk $0xffff, v50;
	v49 =	vor.u32 v31, v36  }
0x1c6: {  	v50 =	vld.idx.msk [tilespmem:v51+s13+$0x0], $0xffff;
	v49 =	vadd.s32 v32, v49  }
0x1c7: {  	v33 =	vor.u32 s1, v33;
	_ =	sdelay $0x3  }
0x1c8: {  	v56 =	vor.u32 v30, v36;
	[tilespmem:v49+s19+$0x0] =	vst.idx.msk $0xffff, v50  }
0x1c9: {  	v49 =	vadd.s32 v32, v56;
	v33 =	vld.idx.msk [tilespmem:v33+s13+$0x0], $0xffff  }
0x1ca: {  	v34 =	vor.u32 s1, v34;
	_ =	sdelay $0x3  }
0x1cb: {  	v57 =	vor.u32 v29, v36;
	[tilespmem:v49+s19+$0x0] =	vst.idx.msk $0xffff, v33  }
0x1cc: {  	v33 =	vadd.s32 v32, v57;
	v34 =	vld.idx.msk [tilespmem:v34+s13+$0x0], $0xffff  }
0x1cd: {  	v35 =	vor.u32 s1, v35;
	_ =	sdelay $0x3  }
0x1ce: {  	v58 =	vor.u32 v28, v36;
	[tilespmem:v33+s19+$0x0] =	vst.idx.msk $0xffff, v34  }
0x1cf: {  	v33 =	vadd.s32 v32, v58;
	v34 =	vld.idx.msk [tilespmem:v35+s13+$0x0], $0xffff  }
0x1d0: {  	v59 =	vor.u32 s1, v37;
	_ =	sdelay $0x3  }
0x1d1: {  	v60 =	vor.u32 v27, v36;
	[tilespmem:v33+s19+$0x0] =	vst.idx.msk $0xffff, v34  }
0x1d2: {  	v33 =	vadd.s32 v32, v60;
	v34 =	vld.idx.msk [tilespmem:v59+s13+$0x0], $0xffff  }
0x1d3: {  	v61 =	vor.u32 s1, v38;
	_ =	sdelay $0x3  }
0x1d4: {  	v62 =	vor.u32 v26, v36;
	[tilespmem:v33+s19+$0x0] =	vst.idx.msk $0xffff, v34  }
0x1d5: {  	v33 =	vadd.s32 v32, v62;
	v34 =	vld.idx.msk [tilespmem:v61+s13+$0x0], $0xffff  }
0x1d6: {  	v63 =	vor.u32 s1, v39;
	_ =	sdelay $0x3  }
0x1d7: {  	v37 =	vor.u32 v25, v36;
	[tilespmem:v33+s19+$0x0] =	vst.idx.msk $0xffff, v34  }
0x1d8: {  	v33 =	vadd.s32 v32, v37;
	v34 =	vld.idx.msk [tilespmem:v63+s13+$0x0], $0xffff  }
0x1d9: {  	v38 =	vor.u32 s1, v40;
	_ =	sdelay $0x3  }
0x1da: {  	v39 =	vor.u32 v24, v36;
	[tilespmem:v33+s19+$0x0] =	vst.idx.msk $0xffff, v34  }
0x1db: {  	v33 =	vadd.s32 v32, v39;
	v34 =	vld.idx.msk [tilespmem:v38+s13+$0x0], $0xffff  }
0x1dc: {  	v40 =	vor.u32 s1, v41;
	_ =	sdelay $0x3  }
0x1dd: {  	v41 =	vor.u32 v23, v36;
	[tilespmem:v33+s19+$0x0] =	vst.idx.msk $0xffff, v34  }
0x1de: {  	v33 =	vadd.s32 v32, v41;
	v34 =	vld.idx.msk [tilespmem:v40+s13+$0x0], $0xffff  }
0x1df: {  	v49 =	vor.u32 s1, v42;
	_ =	sdelay $0x3  }
0x1e0: {  	v50 =	vor.u32 v22, v36;
	[tilespmem:v33+s19+$0x0] =	vst.idx.msk $0xffff, v34  }
0x1e1: {  	v33 =	vadd.s32 v32, v50;
	v34 =	vld.idx.msk [tilespmem:v49+s13+$0x0], $0xffff  }
0x1e2: {  	v51 =	vor.u32 s1, v43;
	_ =	sdelay $0x3  }
0x1e3: {  	v52 =	vor.u32 v21, v36;
	[tilespmem:v33+s19+$0x0] =	vst.idx.msk $0xffff, v34  }
0x1e4: {  	v33 =	vadd.s32 v32, v52;
	v34 =	vld.idx.msk [tilespmem:v51+s13+$0x0], $0xffff  }
0x1e5: {  	v53 =	vor.u32 s1, v44;
	_ =	sdelay $0x3  }
0x1e6: {  	v54 =	vor.u32 v20, v36;
	[tilespmem:v33+s19+$0x0] =	vst.idx.msk $0xffff, v34  }
0x1e7: {  	v33 =	vadd.s32 v32, v54;
	v34 =	vld.idx.msk [tilespmem:v53+s13+$0x0], $0xffff  }
0x1e8: {  	v55 =	vor.u32 s1, v45;
	_ =	sdelay $0x3  }
0x1e9: {  	v56 =	vor.u32 v19, v36;
	[tilespmem:v33+s19+$0x0] =	vst.idx.msk $0xffff, v34  }
0x1ea: {  	v33 =	vadd.s32 v32, v56;
	v34 =	vld.idx.msk [tilespmem:v55+s13+$0x0], $0xffff  }
0x1eb: {  	v57 =	vor.u32 s1, v46;
	_ =	sdelay $0x3  }
0x1ec: {  	v58 =	vor.u32 v18, v36;
	[tilespmem:v33+s19+$0x0] =	vst.idx.msk $0xffff, v34  }
0x1ed: {  	v33 =	vadd.s32 v32, v58;
	v34 =	vld.idx.msk [tilespmem:v57+s13+$0x0], $0xffff  }
0x1ee: {  	v59 =	vor.u32 s1, v47;
	_ =	sdelay $0x3  }
0x1ef: {  	v60 =	vor.u32 v17, v36;
	[tilespmem:v33+s19+$0x0] =	vst.idx.msk $0xffff, v34  }
0x1f0: {  	v33 =	vadd.s32 v32, v60;
	v34 =	vld.idx.msk [tilespmem:v59+s13+$0x0], $0xffff  }
0x1f1: {  	v61 =	vor.u32 s1, v48;
	_ =	sdelay $0x3  }
0x1f2: {  	s31 =	sadd.s32 $0x1, s31;
	v62 =	vor.u32 v16, v36;
	[tilespmem:v33+s19+$0x0] =	vst.idx.msk $0xffff, v34  }
0x1f3: {  	p1 =	sne.s32 s31, $0x8;
	v63 =	vadd.s32 v32, v62;
	v34 =	vld.idx.msk [tilespmem:v61+s13+$0x0], $0xffff  }
.Ltmp5:
0x1f4: {  	_ = 	snop;
	(pc) =	sbr.rel @p1 .LBB2_7-.Ltmp5, $2  }
0x1f5: {  	_ =	sdelay $0x2  }
0x1f6: {  	[tilespmem:v63+s19+$0x0] =	vst.idx.msk $0xffff, v34  }
0x1f7: {  	s0 =	sadd.s32 s7, s30  }
0x1f8: {  	s0 =	sshrl.u32 s0, $0x3  }
.Ltmp6:
0x1f9: {  	s0 =	sadd.s32 s2, s0;
	(pc) =	sbr.rel @p0 .LBB2_16-.Ltmp6, $4  }
0x1fa: {  	[hbm4b:s0+s16] =	stream.strided.scatter [tilespmem:s19], [sflag:$0x5], $0x2000, s17, s16, $0x38;
	[tilespmem:$0x13C00] =	vst v63  }
0x1fb: {  	_ =	swait.ge [sflag:s20], $0x2000  }
0x1fc: {  	[sflag:s20] =	ssyncset.done $0x0  }
0x1fd: {  	[sflag:s20] =	ssyncadd.s32 $0xFFFFE000  }
0x1fe: {  	s0 =	smul.u32 $0x600, s26;
	_ =	sdelay $0x1  }
0x1ff: {  	s0 =	sshra.s32 s0, $0x2  }
0x200: {  	s0 =	sadd.s32 $0x200, s0  }
0x201: {  	[tilespmem:s13], [sflag:$0x2] =	stream.indirect.gather [hbm4b:s4+s11], $0x80, s0, s11, $0xb8;
	[tilespmem:$0x13C00] =	vst v63  }
0x202: {  	_ =	swait.ge [sflag:s22], $0x4000  }
0x203: {  	[sflag:s22] =	ssyncset.done $0x0  }
0x204: {  	s29 =	simm.s32 $0x0;
	s30 =	simm.s32 $0x0;
	[sflag:s22] =	ssyncadd.s32 $0xFFFFC000  }
.LBB2_12:
0x205: {  	s0 =	sshll.u32 s30, $0x4  }
0x206: {  	v32 =	vor.u32 s0, v0  }
0x207: {  	v48 =	vshll.u32 v32, $0x7  }
0x208: {  	v36 =	vor.u32 v0, v48  }
0x209: {  	v34 =	vor.u32 s29, v36;
	_ =	sdelay $0x1  }
0x20a: {  	v33 =	vmov s29  }
0x20b: {  	v49 =	vshll.u32 v33, $0x7  }
0x20c: {  	v35 =	vor.u32 v31, v49  }
0x20d: {  	v33 =	vor.u32 v1, v48;
	v35 =	vadd.s32 v32, v35;
	v34 =	vld.idx.msk [tilespmem:v34+s23+$0x0], $0xffff  }
0x20e: {  	v37 =	vor.u32 s29, v33;
	_ =	sdelay $0x3  }
0x20f: {  	v47 =	vor.u32 v30, v49;
	[tilespmem:v35+s24+$0x0] =	vst.idx.msk $0xffff, v34  }
0x210: {  	v34 =	vor.u32 v2, v48;
	v35 =	vadd.s32 v32, v47;
	v37 =	vld.idx.msk [tilespmem:v37+s23+$0x0], $0xffff  }
0x211: {  	v38 =	vor.u32 s29, v34;
	_ =	sdelay $0x3  }
0x212: {  	v50 =	vor.u32 v29, v49;
	[tilespmem:v35+s24+$0x0] =	vst.idx.msk $0xffff, v37  }
0x213: {  	v35 =	vor.u32 v3, v48;
	v37 =	vadd.s32 v32, v50;
	v38 =	vld.idx.msk [tilespmem:v38+s23+$0x0], $0xffff  }
0x214: {  	v39 =	vor.u32 s29, v35;
	_ =	sdelay $0x3  }
0x215: {  	v51 =	vor.u32 v28, v49;
	[tilespmem:v37+s24+$0x0] =	vst.idx.msk $0xffff, v38  }
0x216: {  	v37 =	vor.u32 v4, v48;
	v38 =	vadd.s32 v32, v51;
	v39 =	vld.idx.msk [tilespmem:v39+s23+$0x0], $0xffff  }
0x217: {  	v40 =	vor.u32 s29, v37;
	_ =	sdelay $0x3  }
0x218: {  	v52 =	vor.u32 v27, v49;
	[tilespmem:v38+s24+$0x0] =	vst.idx.msk $0xffff, v39  }
0x219: {  	v38 =	vor.u32 v5, v48;
	v39 =	vadd.s32 v32, v52;
	v40 =	vld.idx.msk [tilespmem:v40+s23+$0x0], $0xffff  }
0x21a: {  	v41 =	vor.u32 s29, v38;
	_ =	sdelay $0x3  }
0x21b: {  	v53 =	vor.u32 v26, v49;
	[tilespmem:v39+s24+$0x0] =	vst.idx.msk $0xffff, v40  }
0x21c: {  	v39 =	vor.u32 v6, v48;
	v40 =	vadd.s32 v32, v53;
	v41 =	vld.idx.msk [tilespmem:v41+s23+$0x0], $0xffff  }
0x21d: {  	v42 =	vor.u32 s29, v39;
	_ =	sdelay $0x3  }
0x21e: {  	v54 =	vor.u32 v25, v49;
	[tilespmem:v40+s24+$0x0] =	vst.idx.msk $0xffff, v41  }
0x21f: {  	v40 =	vor.u32 v7, v48;
	v41 =	vadd.s32 v32, v54;
	v42 =	vld.idx.msk [tilespmem:v42+s23+$0x0], $0xffff  }
0x220: {  	v43 =	vor.u32 s29, v40;
	_ =	sdelay $0x3  }
0x221: {  	v55 =	vor.u32 v24, v49;
	[tilespmem:v41+s24+$0x0] =	vst.idx.msk $0xffff, v42  }
0x222: {  	v41 =	vor.u32 v8, v48;
	v42 =	vadd.s32 v32, v55;
	v43 =	vld.idx.msk [tilespmem:v43+s23+$0x0], $0xffff  }
0x223: {  	v44 =	vor.u32 s29, v41;
	_ =	sdelay $0x3  }
0x224: {  	v56 =	vor.u32 v23, v49;
	[tilespmem:v42+s24+$0x0] =	vst.idx.msk $0xffff, v43  }
0x225: {  	v42 =	vor.u32 v9, v48;
	v43 =	vadd.s32 v32, v56;
	v44 =	vld.idx.msk [tilespmem:v44+s23+$0x0], $0xffff  }
0x226: {  	v45 =	vor.u32 s29, v42;
	_ =	sdelay $0x3  }
0x227: {  	v57 =	vor.u32 v22, v49;
	[tilespmem:v43+s24+$0x0] =	vst.idx.msk $0xffff, v44  }
0x228: {  	v43 =	vor.u32 v10, v48;
	v44 =	vadd.s32 v32, v57;
	v45 =	vld.idx.msk [tilespmem:v45+s23+$0x0], $0xffff  }
0x229: {  	v46 =	vor.u32 s29, v43;
	_ =	sdelay $0x3  }
0x22a: {  	v58 =	vor.u32 v21, v49;
	[tilespmem:v44+s24+$0x0] =	vst.idx.msk $0xffff, v45  }
0x22b: {  	v44 =	vor.u32 v11, v48;
	v45 =	vadd.s32 v32, v58;
	v46 =	vld.idx.msk [tilespmem:v46+s23+$0x0], $0xffff  }
0x22c: {  	v47 =	vor.u32 s29, v44;
	_ =	sdelay $0x3  }
0x22d: {  	v59 =	vor.u32 v20, v49;
	[tilespmem:v45+s24+$0x0] =	vst.idx.msk $0xffff, v46  }
0x22e: {  	v45 =	vor.u32 v12, v48;
	v46 =	vadd.s32 v32, v59;
	v47 =	vld.idx.msk [tilespmem:v47+s23+$0x0], $0xffff  }
0x22f: {  	v50 =	vor.u32 s29, v45;
	_ =	sdelay $0x3  }
0x230: {  	v60 =	vor.u32 v19, v49;
	[tilespmem:v46+s24+$0x0] =	vst.idx.msk $0xffff, v47  }
0x231: {  	v46 =	vor.u32 v13, v48;
	v47 =	vadd.s32 v32, v60;
	v50 =	vld.idx.msk [tilespmem:v50+s23+$0x0], $0xffff  }
0x232: {  	v51 =	vor.u32 s29, v46;
	_ =	sdelay $0x3  }
0x233: {  	v61 =	vor.u32 v18, v49;
	[tilespmem:v47+s24+$0x0] =	vst.idx.msk $0xffff, v50  }
0x234: {  	v47 =	vor.u32 v14, v48;
	v50 =	vadd.s32 v32, v61;
	v51 =	vld.idx.msk [tilespmem:v51+s23+$0x0], $0xffff  }
0x235: {  	v52 =	vor.u32 s29, v47;
	_ =	sdelay $0x3  }
0x236: {  	v62 =	vor.u32 v17, v49;
	[tilespmem:v50+s24+$0x0] =	vst.idx.msk $0xffff, v51  }
0x237: {  	v48 =	vor.u32 v15, v48;
	v50 =	vadd.s32 v32, v62;
	v51 =	vld.idx.msk [tilespmem:v52+s23+$0x0], $0xffff  }
0x238: {  	v63 =	vor.u32 s29, v48;
	_ =	sdelay $0x3  }
0x239: {  	v49 =	vor.u32 v16, v49;
	[tilespmem:v50+s24+$0x0] =	vst.idx.msk $0xffff, v51  }
0x23a: {  	s1 =	simm.s32 $0x10;
	v52 =	vadd.s32 v32, v49;
	v50 =	vld.idx.msk [tilespmem:v63+s23+$0x0], $0xffff  }
0x23b: {  	s0 =	simm.s32 $0x20;
	v51 =	vor.u32 s1, v36  }
.LBB2_13:
0x23c: {  	p0 =	sne.s32 s0, $0x30;
	_ =	sdelay $0x1  }
0x23d: {  	v49 =	vmov s1  }
0x23e: {  	v49 =	vshll.u32 v49, $0x7;
	[tilespmem:v52+s24+$0x0] =	vst.idx.msk $0xffff, v50  }
0x23f: {  	v50 =	vld.idx.msk [tilespmem:v51+s23+$0x0], $0xffff;
	v51 =	vor.u32 v31, v49  }
0x240: {  	v51 =	vadd.s32 v32, v51  }
0x241: {  	v52 =	vor.u32 s1, v33;
	_ =	sdelay $0x3  }
0x242: {  	[tilespmem:v51+s24+$0x0] =	vst.idx.msk $0xffff, v50  }
0x243: {  	v51 =	vor.u32 v30, v49;
	v50 =	vld.idx.msk [tilespmem:v52+s23+$0x0], $0xffff  }
0x244: {  	v51 =	vadd.s32 v32, v51  }
0x245: {  	v52 =	vor.u32 s1, v34;
	_ =	sdelay $0x3  }
0x246: {  	[tilespmem:v51+s24+$0x0] =	vst.idx.msk $0xffff, v50  }
0x247: {  	v51 =	vor.u32 v29, v49;
	v50 =	vld.idx.msk [tilespmem:v52+s23+$0x0], $0xffff  }
0x248: {  	v51 =	vadd.s32 v32, v51  }
0x249: {  	v52 =	vor.u32 s1, v35;
	_ =	sdelay $0x3  }
0x24a: {  	[tilespmem:v51+s24+$0x0] =	vst.idx.msk $0xffff, v50  }
0x24b: {  	v51 =	vor.u32 v28, v49;
	v50 =	vld.idx.msk [tilespmem:v52+s23+$0x0], $0xffff  }
0x24c: {  	v51 =	vadd.s32 v32, v51  }
0x24d: {  	v52 =	vor.u32 s1, v37;
	_ =	sdelay $0x3  }
0x24e: {  	[tilespmem:v51+s24+$0x0] =	vst.idx.msk $0xffff, v50  }
0x24f: {  	v51 =	vor.u32 v27, v49;
	v50 =	vld.idx.msk [tilespmem:v52+s23+$0x0], $0xffff  }
0x250: {  	v51 =	vadd.s32 v32, v51  }
0x251: {  	v52 =	vor.u32 s1, v38;
	_ =	sdelay $0x3  }
0x252: {  	[tilespmem:v51+s24+$0x0] =	vst.idx.msk $0xffff, v50  }
0x253: {  	v51 =	vor.u32 v26, v49;
	v50 =	vld.idx.msk [tilespmem:v52+s23+$0x0], $0xffff  }
0x254: {  	v51 =	vadd.s32 v32, v51  }
0x255: {  	v52 =	vor.u32 s1, v39;
	_ =	sdelay $0x3  }
0x256: {  	[tilespmem:v51+s24+$0x0] =	vst.idx.msk $0xffff, v50  }
0x257: {  	v51 =	vor.u32 v25, v49;
	v50 =	vld.idx.msk [tilespmem:v52+s23+$0x0], $0xffff  }
0x258: {  	v51 =	vadd.s32 v32, v51  }
0x259: {  	v52 =	vor.u32 s1, v40;
	_ =	sdelay $0x3  }
0x25a: {  	[tilespmem:v51+s24+$0x0] =	vst.idx.msk $0xffff, v50  }
0x25b: {  	v51 =	vor.u32 v24, v49;
	v50 =	vld.idx.msk [tilespmem:v52+s23+$0x0], $0xffff  }
0x25c: {  	v51 =	vadd.s32 v32, v51  }
0x25d: {  	v52 =	vor.u32 s1, v41;
	_ =	sdelay $0x3  }
0x25e: {  	[tilespmem:v51+s24+$0x0] =	vst.idx.msk $0xffff, v50  }
0x25f: {  	v51 =	vor.u32 v23, v49;
	v50 =	vld.idx.msk [tilespmem:v52+s23+$0x0], $0xffff  }
0x260: {  	v51 =	vadd.s32 v32, v51  }
0x261: {  	v52 =	vor.u32 s1, v42;
	_ =	sdelay $0x3  }
0x262: {  	[tilespmem:v51+s24+$0x0] =	vst.idx.msk $0xffff, v50  }
0x263: {  	v51 =	vor.u32 v22, v49;
	v50 =	vld.idx.msk [tilespmem:v52+s23+$0x0], $0xffff  }
0x264: {  	v51 =	vadd.s32 v32, v51  }
0x265: {  	v52 =	vor.u32 s1, v43;
	_ =	sdelay $0x3  }
0x266: {  	[tilespmem:v51+s24+$0x0] =	vst.idx.msk $0xffff, v50  }
0x267: {  	v51 =	vor.u32 v21, v49;
	v50 =	vld.idx.msk [tilespmem:v52+s23+$0x0], $0xffff  }
0x268: {  	v51 =	vadd.s32 v32, v51  }
0x269: {  	v52 =	vor.u32 s1, v44;
	_ =	sdelay $0x3  }
0x26a: {  	[tilespmem:v51+s24+$0x0] =	vst.idx.msk $0xffff, v50  }
0x26b: {  	v51 =	vor.u32 v20, v49;
	v50 =	vld.idx.msk [tilespmem:v52+s23+$0x0], $0xffff  }
0x26c: {  	v51 =	vadd.s32 v32, v51  }
0x26d: {  	v52 =	vor.u32 s1, v45;
	_ =	sdelay $0x3  }
0x26e: {  	[tilespmem:v51+s24+$0x0] =	vst.idx.msk $0xffff, v50  }
0x26f: {  	v51 =	vor.u32 v19, v49;
	v50 =	vld.idx.msk [tilespmem:v52+s23+$0x0], $0xffff  }
0x270: {  	v51 =	vadd.s32 v32, v51  }
0x271: {  	v52 =	vor.u32 s1, v46;
	_ =	sdelay $0x3  }
0x272: {  	[tilespmem:v51+s24+$0x0] =	vst.idx.msk $0xffff, v50  }
0x273: {  	v51 =	vor.u32 v18, v49;
	v50 =	vld.idx.msk [tilespmem:v52+s23+$0x0], $0xffff  }
0x274: {  	v51 =	vadd.s32 v32, v51  }
0x275: {  	v52 =	vor.u32 s1, v47;
	_ =	sdelay $0x3  }
0x276: {  	[tilespmem:v51+s24+$0x0] =	vst.idx.msk $0xffff, v50  }
0x277: {  	v51 =	vor.u32 v17, v49;
	v50 =	vld.idx.msk [tilespmem:v52+s23+$0x0], $0xffff  }
0x278: {  	v51 =	vadd.s32 v32, v51  }
0x279: {  	v52 =	vor.u32 s1, v48;
	s1 =	smov.u32 s0;
	_ =	sdelay $0x2  }
.Ltmp7:
0x27a: {  	(pc) =	sbr.rel @p0 .LBB2_13-.Ltmp7, $4  }
0x27b: {  	[tilespmem:v51+s24+$0x0] =	vst.idx.msk $0xffff, v50  }
0x27c: {  	v49 =	vor.u32 v16, v49;
	v50 =	vld.idx.msk [tilespmem:v52+s23+$0x0], $0xffff  }
0x27d: {  	v52 =	vadd.s32 v32, v49  }
0x27e: {  	s0 =	sadd.s32 $0x10, s0;
	v51 =	vor.u32 s1, v36  }
0x27f: {  	_ =	sdelay $0x1  }
0x280: {  	v36 =	vmov s1  }
0x281: {  	v36 =	vshll.u32 v36, $0x7  }
0x282: {  	[tilespmem:v52+s24+$0x0] =	vst.idx.msk $0xffff, v50;
	v49 =	vor.u32 v31, v36  }
0x283: {  	v50 =	vld.idx.msk [tilespmem:v51+s23+$0x0], $0xffff;
	v49 =	vadd.s32 v32, v49  }
0x284: {  	v33 =	vor.u32 s1, v33;
	_ =	sdelay $0x3  }
0x285: {  	v56 =	vor.u32 v30, v36;
	[tilespmem:v49+s24+$0x0] =	vst.idx.msk $0xffff, v50  }
0x286: {  	v49 =	vadd.s32 v32, v56;
	v33 =	vld.idx.msk [tilespmem:v33+s23+$0x0], $0xffff  }
0x287: {  	v34 =	vor.u32 s1, v34;
	_ =	sdelay $0x3  }
0x288: {  	v57 =	vor.u32 v29, v36;
	[tilespmem:v49+s24+$0x0] =	vst.idx.msk $0xffff, v33  }
0x289: {  	v33 =	vadd.s32 v32, v57;
	v34 =	vld.idx.msk [tilespmem:v34+s23+$0x0], $0xffff  }
0x28a: {  	v35 =	vor.u32 s1, v35;
	_ =	sdelay $0x3  }
0x28b: {  	v58 =	vor.u32 v28, v36;
	[tilespmem:v33+s24+$0x0] =	vst.idx.msk $0xffff, v34  }
0x28c: {  	v33 =	vadd.s32 v32, v58;
	v34 =	vld.idx.msk [tilespmem:v35+s23+$0x0], $0xffff  }
0x28d: {  	v59 =	vor.u32 s1, v37;
	_ =	sdelay $0x3  }
0x28e: {  	v60 =	vor.u32 v27, v36;
	[tilespmem:v33+s24+$0x0] =	vst.idx.msk $0xffff, v34  }
0x28f: {  	v33 =	vadd.s32 v32, v60;
	v34 =	vld.idx.msk [tilespmem:v59+s23+$0x0], $0xffff  }
0x290: {  	v61 =	vor.u32 s1, v38;
	_ =	sdelay $0x3  }
0x291: {  	v62 =	vor.u32 v26, v36;
	[tilespmem:v33+s24+$0x0] =	vst.idx.msk $0xffff, v34  }
0x292: {  	v33 =	vadd.s32 v32, v62;
	v34 =	vld.idx.msk [tilespmem:v61+s23+$0x0], $0xffff  }
0x293: {  	v63 =	vor.u32 s1, v39;
	_ =	sdelay $0x3  }
0x294: {  	v37 =	vor.u32 v25, v36;
	[tilespmem:v33+s24+$0x0] =	vst.idx.msk $0xffff, v34  }
0x295: {  	v33 =	vadd.s32 v32, v37;
	v34 =	vld.idx.msk [tilespmem:v63+s23+$0x0], $0xffff  }
0x296: {  	v38 =	vor.u32 s1, v40;
	_ =	sdelay $0x3  }
0x297: {  	v39 =	vor.u32 v24, v36;
	[tilespmem:v33+s24+$0x0] =	vst.idx.msk $0xffff, v34  }
0x298: {  	v33 =	vadd.s32 v32, v39;
	v34 =	vld.idx.msk [tilespmem:v38+s23+$0x0], $0xffff  }
0x299: {  	v40 =	vor.u32 s1, v41;
	_ =	sdelay $0x3  }
0x29a: {  	v41 =	vor.u32 v23, v36;
	[tilespmem:v33+s24+$0x0] =	vst.idx.msk $0xffff, v34  }
0x29b: {  	v33 =	vadd.s32 v32, v41;
	v34 =	vld.idx.msk [tilespmem:v40+s23+$0x0], $0xffff  }
0x29c: {  	v49 =	vor.u32 s1, v42;
	_ =	sdelay $0x3  }
0x29d: {  	v50 =	vor.u32 v22, v36;
	[tilespmem:v33+s24+$0x0] =	vst.idx.msk $0xffff, v34  }
0x29e: {  	v33 =	vadd.s32 v32, v50;
	v34 =	vld.idx.msk [tilespmem:v49+s23+$0x0], $0xffff  }
0x29f: {  	v51 =	vor.u32 s1, v43;
	_ =	sdelay $0x3  }
0x2a0: {  	v52 =	vor.u32 v21, v36;
	[tilespmem:v33+s24+$0x0] =	vst.idx.msk $0xffff, v34  }
0x2a1: {  	v33 =	vadd.s32 v32, v52;
	v34 =	vld.idx.msk [tilespmem:v51+s23+$0x0], $0xffff  }
0x2a2: {  	v53 =	vor.u32 s1, v44;
	_ =	sdelay $0x3  }
0x2a3: {  	v54 =	vor.u32 v20, v36;
	[tilespmem:v33+s24+$0x0] =	vst.idx.msk $0xffff, v34  }
0x2a4: {  	v33 =	vadd.s32 v32, v54;
	v34 =	vld.idx.msk [tilespmem:v53+s23+$0x0], $0xffff  }
0x2a5: {  	v55 =	vor.u32 s1, v45;
	_ =	sdelay $0x3  }
0x2a6: {  	v56 =	vor.u32 v19, v36;
	[tilespmem:v33+s24+$0x0] =	vst.idx.msk $0xffff, v34  }
0x2a7: {  	v33 =	vadd.s32 v32, v56;
	v34 =	vld.idx.msk [tilespmem:v55+s23+$0x0], $0xffff  }
0x2a8: {  	v57 =	vor.u32 s1, v46;
	_ =	sdelay $0x3  }
0x2a9: {  	v58 =	vor.u32 v18, v36;
	[tilespmem:v33+s24+$0x0] =	vst.idx.msk $0xffff, v34  }
0x2aa: {  	v33 =	vadd.s32 v32, v58;
	v34 =	vld.idx.msk [tilespmem:v57+s23+$0x0], $0xffff  }
0x2ab: {  	v59 =	vor.u32 s1, v47;
	_ =	sdelay $0x3  }
0x2ac: {  	v60 =	vor.u32 v17, v36;
	[tilespmem:v33+s24+$0x0] =	vst.idx.msk $0xffff, v34  }
0x2ad: {  	v33 =	vadd.s32 v32, v60;
	v34 =	vld.idx.msk [tilespmem:v59+s23+$0x0], $0xffff  }
0x2ae: {  	v61 =	vor.u32 s1, v48;
	_ =	sdelay $0x3  }
0x2af: {  	s30 =	sadd.s32 $0x1, s30;
	v62 =	vor.u32 v16, v36;
	[tilespmem:v33+s24+$0x0] =	vst.idx.msk $0xffff, v34  }
0x2b0: {  	p0 =	sne.s32 s30, $0x8;
	v63 =	vadd.s32 v32, v62;
	v34 =	vld.idx.msk [tilespmem:v61+s23+$0x0], $0xffff  }
.Ltmp8:
0x2b1: {  	_ = 	snop;
	(pc) =	sbr.rel @p0 .LBB2_12-.Ltmp8, $2  }
0x2b2: {  	_ =	sdelay $0x2  }
0x2b3: {  	[tilespmem:v63+s24+$0x0] =	vst.idx.msk $0xffff, v34  }
0x2b4: {  	s26 =	sadd.s32 $0x1, s26  }
0x2b5: {  	p0 =	sne.s32 s26, $0x11  }
.Ltmp9:
0x2b6: {  	_ = 	snop;
	(pc) =	sbr.rel @p0 .LBB2_2-.Ltmp9, $4  }
.Ltmp10:
0x2b7: {  	_ = 	snop;
	(pc) =	sbr.rel @!p0 .LBB2_16-.Ltmp10, $4  }
0x2b8: {  	s0 =	sshll.u32 s28, $0xF  }
0x2b9: {  	s0 =	sadd.s32 s0, s8  }
0x2ba: {  	[hbm4b:s0+s16] =	stream.strided.scatter [tilespmem:s24], [sflag:$0x6], $0x2000, s17, s16, $0x38;
	[tilespmem:$0x13C00] =	vst v63  }
0x2bb: {  	_ = 	snop  }
.LBB2_17:
0x2bc: {  	_ =	sfence.sel $0x180000  }
0x2bd: {  	[bflag:$0x0] =	sbarrier.arrive $0xFFFF  }
0x2be: {  	_ =	strace $0x90000047  }
0x2bf: {  	s0 =	stileid.u32;
	[bflag:$0x2] =	sbarrier.arrive $0xFFFF  }
0x2c0: {  	p0 =	sne.s32 s0, $0x0;
	s0 =	rddreg [dreg:$0x2]  }
0x2c1: {  	s0 =	sadd.s32 @!p0 $0x100000, s0  }
0x2c2: {  	[sflag:s0] =	ssyncadd.tile.s32 @!p0 $0x1;
	_ =	shalt  }
.Lfunc_end2:
_tile_overlayer_lowered:
.L_overlay_start_2:
0x2c3: {  	(tag) =	ssettag $0x2  }
0x2c4: {  	s0 =	rddreg [dreg:$0x0];
	s2 =	stileid.u32  }
0x2c5: {  	s1 =	rddreg [dreg:$0x1];
	p0 =	sne.s32 s2, $0x0  }
0x2c6: {  	s3 =	rddreg [dreg:$0x2];
	[bflag:$0x3] =	sbarrier.arrive $0xFFFF;
	s2 =	simm.s32 @!p0 $0x1C07  }
0x2c7: {  	[timem:s3], [sflag:s2] =	dma.local @!p0 [hbm:s0], s1  }
0x2c8: {  	s0 =	simm.s32 @!p0 $0x7  }
0x2c9: {  	_ =	swait.ge @!p0 [sflag:s0], s1  }
0x2ca: {  	s1 =	ssub.s32 @!p0 $0x0, s1;
	[sflag:s0] =	ssyncset.done @!p0 $0x0  }
0x2cb: {  	[sflag:s0] =	ssyncadd.s32 @!p0 s1  }
0x2cc: {  	[bflag:$0x3] =	sbarrier.arrive $0xFFFF  }
0x2cd: {  	_ =	shalt  }

</sc_bundles>
